<compile_context>
chip_gen: v7x
topology: tpu7x:2x2x1
jax: 0.10.2.dev20260603
libtpu: 0.0.44.dev20260713+nightly
codegen_flags: <defaults>
</compile_context>

<pallas_src>
import jax
import jax.numpy as jnp
from jax import lax
from jax.experimental import pallas as pl

B, C, H, W = 2, 3, 1080, 1920
HP = 1096
WP = 1922
NCELL = B * HP * WP
ROWS_BLK = 8
NBLK = B * H // ROWS_BLK
NROWS = B * H
N = B * H * W


def _logmax_body(depth_ref, out_ref):
    d = depth_ref[0, 0]
    out_ref[...] = jnp.max(jnp.log1p(jnp.clip(d, 0.0, 1000.0))).reshape(1, 1, 1)


def _logmax(depth1):
    return pl.pallas_call(
        _logmax_body,
        grid=(NBLK,),
        in_specs=[pl.BlockSpec((1, 1, ROWS_BLK, W),
                               lambda k: (k // (H // ROWS_BLK), 0, k % (H // ROWS_BLK), 0))],
        out_specs=pl.BlockSpec((1, 1, 1), lambda k: (k, 0, 0)),
        out_shape=jax.ShapeDtypeStruct((NBLK, 1, 1), jnp.float32),
    )(depth1)


def _records_body(scale_ref, frame_ref, depth_ref, flow_ref, idx_ref, vals_ref):
    scale = scale_ref[0, 0]
    i = pl.program_id(1)
    bprog = pl.program_id(0)
    fl = flow_ref[0]
    gx = lax.broadcasted_iota(jnp.int32, (ROWS_BLK, W), 1).astype(jnp.float32)
    gy = lax.broadcasted_iota(jnp.int32, (ROWS_BLK, W), 0).astype(jnp.float32)
    tpox = fl[0] + gx + 1.0
    tpoy = fl[1] + gy + ((i * ROWS_BLK).astype(jnp.float32) + 1.0)
    fxi = jnp.clip(jnp.floor(tpox).astype(jnp.int32), 0, W + 1)
    cxi = jnp.clip(jnp.ceil(tpox).astype(jnp.int32), 0, W + 1)
    fyi = jnp.clip(jnp.floor(tpoy).astype(jnp.int32), 0, H + 1)
    cyi = jnp.clip(jnp.ceil(tpoy).astype(jnp.int32), 0, H + 1)
    fracx = jnp.clip(tpox, 0.0, float(W + 1)) - fxi.astype(jnp.float32)
    fracy = jnp.clip(tpoy, 0.0, float(H + 1)) - fyi.astype(jnp.float32)
    d = depth_ref[0, 0]
    invd = jnp.exp(jnp.log1p(jnp.clip(d, 0.0, 1000.0)) * (-scale))
    u0 = (1.0 - fracy) * invd
    u1 = fracy * invd
    v0 = 1.0 - fracx
    v1 = fracx
    fr = frame_ref[0]
    it = (bprog * HP + fyi + 7) * WP + fxi
    ib = it + (cyi - fyi) * WP
    w00 = u0 * v0
    w10 = u1 * v0
    w01 = u0 * v1
    w11 = u1 * v1
    idx_ref[...] = jnp.stack([it, it + 1, ib, ib + 1], axis=1)
    vals_ref[...] = jnp.stack(
        [w00 * fr[0], w00 * fr[1], w00 * fr[2], w00,
         w01 * fr[0], w01 * fr[1], w01 * fr[2], w01,
         w10 * fr[0], w10 * fr[1], w10 * fr[2], w10,
         w11 * fr[0], w11 * fr[1], w11 * fr[2], w11], axis=1)


def _records(scale_arr, frame1, depth1, flow12):
    nby = H // ROWS_BLK
    return pl.pallas_call(
        _records_body,
        grid=(B, nby),
        in_specs=[
            pl.BlockSpec((1, 1), lambda b, i: (0, 0)),
            pl.BlockSpec((1, 3, ROWS_BLK, W), lambda b, i: (b, 0, i, 0)),
            pl.BlockSpec((1, 1, ROWS_BLK, W), lambda b, i: (b, 0, i, 0)),
            pl.BlockSpec((1, 2, ROWS_BLK, W), lambda b, i: (b, 0, i, 0)),
        ],
        out_specs=[
            pl.BlockSpec((ROWS_BLK, 4, W), lambda b, i: (b * nby + i, 0, 0)),
            pl.BlockSpec((ROWS_BLK, 16, W), lambda b, i: (b * nby + i, 0, 0)),
        ],
        out_shape=[
            jax.ShapeDtypeStruct((NROWS, 4, W), jnp.int32),
            jax.ShapeDtypeStruct((NROWS, 16, W), jnp.float32),
        ],
    )(scale_arr, frame1, depth1, flow12)


def _compose_body(canvas_ref, frame2_ref, out_ref, mask_ref):
    cv = canvas_ref[...]
    cv = cv[:, :, :, 1:1921]
    rgb = cv[:, 0:3]
    wsum = cv[:, 3:4]
    m = wsum > 0.0
    safe = jnp.where(m, wsum, 1.0)
    warped = jnp.clip(jnp.where(m, rgb / safe, -1.0), -1.0, 1.0)
    mf = m.astype(jnp.float32)
    out_ref[...] = mf * warped + (1.0 - mf) * frame2_ref[...]
    mask_ref[...] = mf


def _compose(canvas_planar, true_frame2):
    return pl.pallas_call(
        _compose_body,
        grid=(B, H // ROWS_BLK),
        in_specs=[
            pl.BlockSpec((1, 4, ROWS_BLK, WP), lambda b, i: (b, 0, i + 1, 0)),
            pl.BlockSpec((1, 3, ROWS_BLK, W), lambda b, i: (b, 0, i, 0)),
        ],
        out_specs=[
            pl.BlockSpec((1, 3, ROWS_BLK, W), lambda b, i: (b, 0, i, 0)),
            pl.BlockSpec((1, 1, ROWS_BLK, W), lambda b, i: (b, 0, i, 0)),
        ],
        out_shape=[
            jax.ShapeDtypeStruct((B, C, H, W), jnp.float32),
            jax.ShapeDtypeStruct((B, 1, H, W), jnp.float32),
        ],
    )(canvas_planar, true_frame2)


def kernel(frame1, frame2, depth1, flow12):
    blkmax = _logmax(depth1)
    scale = 50.0 / jnp.max(blkmax)
    scale_arr = jnp.full((1, 1), scale, jnp.float32)
    idx, vals = _records(scale_arr, frame1, depth1, flow12)
    idx4 = idx.transpose(0, 2, 1).reshape(-1)
    vals4 = vals.transpose(0, 2, 1).reshape(-1, 4, 4).reshape(-1, 4)
    canvas = jnp.zeros((NCELL, 4), jnp.float32).at[idx4].add(
        vals4, mode="promise_in_bounds")
    planar = canvas.reshape(B, HP, WP, 4).transpose(0, 3, 1, 2)
    return _compose(planar, frame2[0])

# --- scband reference (transcript-rebuilt; emitter-appended) ---
"""Pipeline reference for scband-frame-predictor-180388627259 (READ-ONLY COPY).

The authoritative reference and input builder live on the scoring server;
editing this copy changes nothing except your own understanding.
"""

import jax, jax.numpy as jnp
import numpy as np

B, C, H, W = 2, 3, 1080, 1920


def setup_inputs(seed: int = 0) -> dict:
    key = jax.random.key(seed)
    k1, k2, k3, k4 = jax.random.split(key, 4)
    frame1 = jax.random.uniform(k1, (B, C, H, W), dtype=jnp.float32) * 2.0 - 1.0
    frame2 = jax.random.uniform(k2, (1, B, C, H, W), dtype=jnp.float32) * 2.0 - 1.0
    depth1 = jax.random.uniform(k3, (B, 1, H, W), dtype=jnp.float32) * 99.0 + 1.0
    flow12 = jax.random.normal(k4, (B, 2, H, W), dtype=jnp.float32) * 5.0
    return {"frame1": frame1, "frame2": frame2, "depth1": depth1, "flow12": flow12}


def bilinear_splatting(frame1, depth1, flow12):
    # Faithful port of Warper.bilinear_splatting (forward softmax-splatting by inverse depth weight).
    b, c, h, w = frame1.shape
    gx = jnp.broadcast_to(jnp.arange(w, dtype=jnp.float32)[None, None, None, :], (b, 1, h, w))
    gy = jnp.broadcast_to(jnp.arange(h, dtype=jnp.float32)[None, None, :, None], (b, 1, h, w))
    grid = jnp.concatenate([gx, gy], axis=1)  # [b,2,h,w] (x,y)
    trans_pos = flow12 + grid
    tpo = trans_pos + 1.0
    tpf = jnp.floor(tpo).astype(jnp.int32)
    tpc = jnp.ceil(tpo).astype(jnp.int32)
    tpo = jnp.stack([jnp.clip(tpo[:, 0], 0.0, w + 1.0), jnp.clip(tpo[:, 1], 0.0, h + 1.0)], axis=1)
    tpf = jnp.stack([jnp.clip(tpf[:, 0], 0, w + 1), jnp.clip(tpf[:, 1], 0, h + 1)], axis=1)
    tpc = jnp.stack([jnp.clip(tpc[:, 0], 0, w + 1), jnp.clip(tpc[:, 1], 0, h + 1)], axis=1)
    fy = tpf[:, 1:2].astype(jnp.float32)
    fx = tpf[:, 0:1].astype(jnp.float32)
    prox_nw = (1.0 - (tpo[:, 1:2] - fy)) * (1.0 - (tpo[:, 0:1] - fx))
    prox_sw = (tpo[:, 1:2] - fy) * (1.0 - (tpo[:, 0:1] - fx))
    prox_ne = (1.0 - (tpo[:, 1:2] - fy)) * (tpo[:, 0:1] - fx)
    prox_se = (tpo[:, 1:2] - fy) * (tpo[:, 0:1] - fx)
    sat_depth1 = jnp.clip(depth1, 0.0, 1000.0)
    log_depth1 = jnp.log1p(sat_depth1)
    depth_weights = jnp.exp(log_depth1 / jnp.max(log_depth1) * 50.0)
    w_nw = jnp.transpose(prox_nw / depth_weights, (0, 2, 3, 1))
    w_sw = jnp.transpose(prox_sw / depth_weights, (0, 2, 3, 1))
    w_ne = jnp.transpose(prox_ne / depth_weights, (0, 2, 3, 1))
    w_se = jnp.transpose(prox_se / depth_weights, (0, 2, 3, 1))
    frame1_cl = jnp.transpose(frame1, (0, 2, 3, 1))  # [b,h,w,c]
    bi = jnp.broadcast_to(jnp.arange(b, dtype=jnp.int32)[:, None, None], (b, h, w))

    def fidx(y, x):
        return ((bi * (h + 2) + y) * (w + 2) + x).reshape(-1)

    ify, ifx = tpf[:, 1], tpf[:, 0]
    icy, icx = tpc[:, 1], tpc[:, 0]
    idx_nw = fidx(ify, ifx)
    idx_sw = fidx(icy, ifx)
    idx_ne = fidx(ify, icx)
    idx_se = fidx(icy, icx)
    warped = jnp.zeros((b * (h + 2) * (w + 2), c), dtype=frame1.dtype)
    warped = warped.at[idx_nw].add((frame1_cl * w_nw).reshape(-1, c))
    warped = warped.at[idx_sw].add((frame1_cl * w_sw).reshape(-1, c))
    warped = warped.at[idx_ne].add((frame1_cl * w_ne).reshape(-1, c))
    warped = warped.at[idx_se].add((frame1_cl * w_se).reshape(-1, c))
    wsum = jnp.zeros((b * (h + 2) * (w + 2), 1), dtype=frame1.dtype)
    wsum = wsum.at[idx_nw].add(w_nw.reshape(-1, 1))
    wsum = wsum.at[idx_sw].add(w_sw.reshape(-1, 1))
    wsum = wsum.at[idx_ne].add(w_ne.reshape(-1, 1))
    wsum = wsum.at[idx_se].add(w_se.reshape(-1, 1))
    warped = warped.reshape(b, h + 2, w + 2, c)[:, 1:-1, 1:-1, :]
    wsum = wsum.reshape(b, h + 2, w + 2, 1)[:, 1:-1, 1:-1, :]
    mask = wsum > 0
    safe = jnp.where(mask, wsum, jnp.ones_like(wsum))
    warped_frame2 = jnp.where(mask, warped / safe, -1.0)
    warped_frame2 = jnp.clip(warped_frame2, -1.0, 1.0)  # is_image=True
    mask2 = mask.astype(frame1.dtype)
    return jnp.transpose(warped_frame2, (0, 3, 1, 2)), jnp.transpose(mask2, (0, 3, 1, 2))


def reference(frame1, frame2, depth1, flow12):
    warped_frame2, warped_mask2 = bilinear_splatting(frame1, depth1, flow12)
    true_frame2 = frame2[0]
    infilled_frame2 = warped_mask2 * warped_frame2 + (1.0 - warped_mask2) * true_frame2
    return infilled_frame2, warped_mask2

if __name__ == "__main__":
    import jax
    _d = setup_inputs()
    print(jax.jit(kernel)(*tuple(_d.values())))

</pallas_src>

<mosaic_0001>
module attributes {stable_mosaic.version = 14 : i64} {
  func.func @_logmax_body(%arg0: i32, %arg1: memref<1x1x8x1920xf32, #tpu.memory_space<vmem>>, %arg2: memref<1x1x1xf32, #tpu.memory_space<vmem>>) attributes {dimension_semantics = [#tpu.dimension_semantics<arbitrary>], iteration_bounds = array<i64: 270>, scalar_prefetch = 0 : i64, scratch_operands = 0 : i64, tpu.core_type = #tpu.core_type<tc>, window_params = [{transform_indices = @transform_0, window_bounds = array<i64: 1, 1, 8, 1920>}, {transform_indices = @transform_1, window_bounds = array<i64: 1, 1, 1>}]} {
    %get3A = arith.constant 0 : index
    %get3A_0 = arith.constant 0 : index
    %get3A_1 = arith.constant 0 : index
    %get3A_2 = arith.constant 0 : index
    %get3A_3 = vector.load %arg1[%get3A, %get3A_0, %get3A_1, %get3A_2] : memref<1x1x8x1920xf32, #tpu.memory_space<vmem>>, vector<1x1x8x1920xf32>
    %get3A_4 = vector.shape_cast %get3A_3 : vector<1x1x8x1920xf32> to vector<8x1920xf32>
    %jit3A = arith.constant 0.000000e+00 : f32
    %jit3A_5 = arith.constant 1.000000e+03 : f32
    %max3A = vector.broadcast %jit3A : f32 to vector<8x1920xf32>
    %max3A_6 = arith.maximumf %max3A, %get3A_4 : vector<8x1920xf32>
    %min3A = vector.broadcast %jit3A_5 : f32 to vector<8x1920xf32>
    %min3A_7 = arith.minimumf %min3A, %max3A_6 : vector<8x1920xf32>
    %log1p3A = math.log1p %min3A_7 : vector<8x1920xf32>
    %reduce_max3A = vector.shape_cast %log1p3A : vector<8x1920xf32> to vector<1x8x1920xf32>
    %reduce_max3A_8 = arith.constant dense<0xFF800000> : vector<1xf32>
    %reduce_max3A_9 = vector.multi_reduction <maximumf>, %reduce_max3A, %reduce_max3A_8 [1, 2] : vector<1x8x1920xf32> to vector<1xf32>
    %reduce_max3A_10 = vector.shape_cast %reduce_max3A_9 : vector<1xf32> to vector<1x1x1xf32>
    %reduce_max3A_11 = vector.extract %reduce_max3A_10[0, 0, 0] : f32 from vector<1x1x1xf32>
    %reshape3A = vector.broadcast %reduce_max3A_11 : f32 to vector<1x1x1xf32>
    %swap3A = arith.constant 0 : index
    %swap3A_12 = arith.constant 0 : index
    %swap3A_13 = arith.constant 0 : index
    %swap3A_14 = vector.load %arg2[%swap3A, %swap3A_12, %swap3A_13] : memref<1x1x1xf32, #tpu.memory_space<vmem>>, vector<1x1x1xf32>
    tpu.vector_store %arg2[%swap3A, %swap3A_12, %swap3A_13], %reshape3A {strides = array<i32>} : memref<1x1x1xf32, #tpu.memory_space<vmem>>, vector<1x1x1xf32>,
    return
  }
  func.func @transform_0(%arg0: i32) -> (i32, i32, i32, i32) {
    %jit3A = arith.constant 135 : i32
    %div3A = arith.divsi %arg0, %jit3A : i32
    %sign3A = arith.constant 0 : i32
    %sign3A_0 = arith.cmpi sgt, %arg0, %sign3A : i32
    %sign3A_1 = arith.extui %sign3A_0 : i1 to i32
    %sign3A_2 = arith.constant 0 : i32
    %sign3A_3 = arith.cmpi slt, %arg0, %sign3A_2 : i32
    %sign3A_4 = arith.extui %sign3A_3 : i1 to i32
    %sign3A_5 = arith.subi %sign3A_1, %sign3A_4 : i32
    %sign3A_6 = arith.constant 0 : i32
    %sign3A_7 = arith.cmpi sgt, %jit3A, %sign3A_6 : i32
    %sign3A_8 = arith.extui %sign3A_7 : i1 to i32
    %sign3A_9 = arith.constant 0 : i32
    %sign3A_10 = arith.cmpi slt, %jit3A, %sign3A_9 : i32
    %sign3A_11 = arith.extui %sign3A_10 : i1 to i32
    %sign3A_12 = arith.subi %sign3A_8, %sign3A_11 : i32
    %ne3A = arith.cmpi ne, %sign3A_5, %sign3A_12 : i32
    %rem3A = arith.remsi %arg0, %jit3A : i32
    %ne3A_13 = arith.constant 0 : i32
    %ne3A_14 = arith.cmpi ne, %rem3A, %ne3A_13 : i32
    %and3A = arith.andi %ne3A, %ne3A_14 : i1
    %sub3A = arith.constant 1 : i32
    %sub3A_15 = arith.subi %div3A, %sub3A : i32
    %select_n3A = arith.select %and3A, %sub3A_15, %div3A : i32
    %jit3A_16 = arith.constant 135 : i32
    %eq3A = arith.constant 0 : i32
    %eq3A_17 = arith.cmpi eq, %jit3A_16, %eq3A : i32
    %jit3A_18 = arith.constant 1 : i32
    %select_n3A_19 = arith.select %eq3A_17, %jit3A_18, %jit3A_16 : i32
    %rem3A_20 = arith.remsi %arg0, %select_n3A_19 : i32
    %ne3A_21 = arith.constant 0 : i32
    %ne3A_22 = arith.cmpi ne, %rem3A_20, %ne3A_21 : i32
    %lt3A = arith.constant 0 : i32
    %lt3A_23 = arith.cmpi slt, %rem3A_20, %lt3A : i32
    %lt3A_24 = arith.constant 0 : i32
    %lt3A_25 = arith.cmpi slt, %select_n3A_19, %lt3A_24 : i32
    %ne3A_26 = arith.xori %lt3A_23, %lt3A_25 : i1
    %and3A_27 = arith.andi %ne3A_26, %ne3A_22 : i1
    %add3A = arith.addi %rem3A_20, %select_n3A_19 : i32
    %select_n3A_28 = arith.select %and3A_27, %add3A, %rem3A_20 : i32
    %c0_i32 = arith.constant 0 : i32
    %c0_i32_29 = arith.constant 0 : i32
    %c0_i32_30 = arith.constant 0 : i32
    return %select_n3A, %c0_i32, %select_n3A_28, %c0_i32_29 : i32, i32, i32, i32
  }
  func.func @transform_1(%arg0: i32) -> (i32, i32, i32) {
    %c0_i32 = arith.constant 0 : i32
    %c0_i32_0 = arith.constant 0 : i32
    %c0_i32_1 = arith.constant 0 : i32
    return %arg0, %c0_i32, %c0_i32_0 : i32, i32, i32
  }
}

module attributes {stable_mosaic.version = 14 : i64} {
  func.func @_records_body(%arg0: i32, %arg1: i32, %arg2: memref<1x1xf32, #tpu.memory_space<vmem>>, %arg3: memref<1x3x8x1920xf32, #tpu.memory_space<vmem>>, %arg4: memref<1x1x8x1920xf32, #tpu.memory_space<vmem>>, %arg5: memref<1x2x8x1920xf32, #tpu.memory_space<vmem>>, %arg6: memref<8x4x1920xi32, #tpu.memory_space<vmem>>, %arg7: memref<8x16x1920xf32, #tpu.memory_space<vmem>>) attributes {dimension_semantics = [#tpu.dimension_semantics<arbitrary>, #tpu.dimension_semantics<arbitrary>], iteration_bounds = array<i64: 2, 135>, scalar_prefetch = 0 : i64, scratch_operands = 0 : i64, tpu.core_type = #tpu.core_type<tc>, window_params = [{pipeline_mode = #tpu.pipeline_mode<synchronous>, transform_indices = @transform_0, window_bounds = array<i64: 1, 1>}, {transform_indices = @transform_1, window_bounds = array<i64: 1, 3, 8, 1920>}, {transform_indices = @transform_2, window_bounds = array<i64: 1, 1, 8, 1920>}, {transform_indices = @transform_3, window_bounds = array<i64: 1, 2, 8, 1920>}, {transform_indices = @transform_4, window_bounds = array<i64: 8, 4, 1920>}, {transform_indices = @transform_5, window_bounds = array<i64: 8, 16, 1920>}]} {
    %get3A = arith.constant 0 : index
    %get3A_0 = arith.constant 0 : index
    %get3A_1 = vector.load %arg2[%get3A, %get3A_0] : memref<1x1xf32, #tpu.memory_space<vmem>>, vector<1x1xf32>
    %get3A_2 = vector.extract %get3A_1[0, 0] : f32 from vector<1x1xf32>
    %get3A_3 = arith.constant 0 : index
    %get3A_4 = arith.constant 0 : index
    %get3A_5 = arith.constant 0 : index
    %get3A_6 = arith.constant 0 : index
    %get3A_7 = vector.load %arg5[%get3A_3, %get3A_4, %get3A_5, %get3A_6] : memref<1x2x8x1920xf32, #tpu.memory_space<vmem>>, vector<1x2x8x1920xf32>
    %get3A_8 = vector.shape_cast %get3A_7 : vector<1x2x8x1920xf32> to vector<2x8x1920xf32>
    %iota3A = tpu.iota {dimensions = array<i32: 1>} : vector<8x1920xi32>
    %convert_element_type3A = arith.sitofp %iota3A : vector<8x1920xi32> to vector<8x1920xf32>
    %iota3A_9 = tpu.iota {dimensions = array<i32: 0>} : vector<8x1920xi32>
    %convert_element_type3A_10 = arith.sitofp %iota3A_9 : vector<8x1920xi32> to vector<8x1920xf32>
    %slice3A = vector.extract_strided_slice %get3A_8 {offsets = [0, 0, 0], sizes = [1, 8, 1920], strides = [1, 1, 1]} : vector<2x8x1920xf32> to vector<1x8x1920xf32>
    %squeeze3A = vector.shape_cast %slice3A : vector<1x8x1920xf32> to vector<8x1920xf32>
    %add3A = arith.addf %squeeze3A, %convert_element_type3A : vector<8x1920xf32>
    %add3A_11 = arith.constant 1.000000e+00 : f32
    %add3A_12 = vector.broadcast %add3A_11 : f32 to vector<8x1920xf32>
    %add3A_13 = arith.addf %add3A, %add3A_12 : vector<8x1920xf32>
    %slice3A_14 = vector.extract_strided_slice %get3A_8 {offsets = [1, 0, 0], sizes = [1, 8, 1920], strides = [1, 1, 1]} : vector<2x8x1920xf32> to vector<1x8x1920xf32>
    %squeeze3A_15 = vector.shape_cast %slice3A_14 : vector<1x8x1920xf32> to vector<8x1920xf32>
    %add3A_16 = arith.addf %squeeze3A_15, %convert_element_type3A_10 : vector<8x1920xf32>
    %mul3A = arith.constant 8 : i32
    %mul3A_17 = arith.muli %arg1, %mul3A : i32
    %convert_element_type3A_18 = arith.sitofp %mul3A_17 : i32 to f32
    %add3A_19 = arith.constant 1.000000e+00 : f32
    %add3A_20 = arith.addf %convert_element_type3A_18, %add3A_19 : f32
    %add3A_21 = vector.broadcast %add3A_20 : f32 to vector<8x1920xf32>
    %add3A_22 = arith.addf %add3A_16, %add3A_21 : vector<8x1920xf32>
    %floor3A = math.floor %add3A_13 : vector<8x1920xf32>
    %convert_element_type3A_23 = arith.fptosi %floor3A : vector<8x1920xf32> to vector<8x1920xi32>
    %jit3A = arith.constant 0 : i32
    %jit3A_24 = arith.constant 1921 : i32
    %max3A = vector.broadcast %jit3A : i32 to vector<8x1920xi32>
    %max3A_25 = arith.maxsi %max3A, %convert_element_type3A_23 : vector<8x1920xi32>
    %min3A = vector.broadcast %jit3A_24 : i32 to vector<8x1920xi32>
    %min3A_26 = arith.minsi %min3A, %max3A_25 : vector<8x1920xi32>
    %floor3A_27 = math.floor %add3A_22 : vector<8x1920xf32>
    %convert_element_type3A_28 = arith.fptosi %floor3A_27 : vector<8x1920xf32> to vector<8x1920xi32>
    %jit3A_29 = arith.constant 0 : i32
    %jit3A_30 = arith.constant 1081 : i32
    %max3A_31 = vector.broadcast %jit3A_29 : i32 to vector<8x1920xi32>
    %max3A_32 = arith.maxsi %max3A_31, %convert_element_type3A_28 : vector<8x1920xi32>
    %min3A_33 = vector.broadcast %jit3A_30 : i32 to vector<8x1920xi32>
    %min3A_34 = arith.minsi %min3A_33, %max3A_32 : vector<8x1920xi32>
    %ceil3A = math.ceil %add3A_22 : vector<8x1920xf32>
    %convert_element_type3A_35 = arith.fptosi %ceil3A : vector<8x1920xf32> to vector<8x1920xi32>
    %jit3A_36 = arith.constant 0 : i32
    %jit3A_37 = arith.constant 1081 : i32
    %max3A_38 = vector.broadcast %jit3A_36 : i32 to vector<8x1920xi32>
    %max3A_39 = arith.maxsi %max3A_38, %convert_element_type3A_35 : vector<8x1920xi32>
    %min3A_40 = vector.broadcast %jit3A_37 : i32 to vector<8x1920xi32>
    %min3A_41 = arith.minsi %min3A_40, %max3A_39 : vector<8x1920xi32>
    %jit3A_42 = arith.constant 0.000000e+00 : f32
    %jit3A_43 = arith.constant 1.921000e+03 : f32
    %max3A_44 = vector.broadcast %jit3A_42 : f32 to vector<8x1920xf32>
    %max3A_45 = arith.maximumf %max3A_44, %add3A_13 : vector<8x1920xf32>
    %min3A_46 = vector.broadcast %jit3A_43 : f32 to vector<8x1920xf32>
    %min3A_47 = arith.minimumf %min3A_46, %max3A_45 : vector<8x1920xf32>
    %convert_element_type3A_48 = arith.sitofp %min3A_26 : vector<8x1920xi32> to vector<8x1920xf32>
    %sub3A = arith.subf %min3A_47, %convert_element_type3A_48 : vector<8x1920xf32>
    %jit3A_49 = arith.constant 0.000000e+00 : f32
    %jit3A_50 = arith.constant 1.081000e+03 : f32
    %max3A_51 = vector.broadcast %jit3A_49 : f32 to vector<8x1920xf32>
    %max3A_52 = arith.maximumf %max3A_51, %add3A_22 : vector<8x1920xf32>
    %min3A_53 = vector.broadcast %jit3A_50 : f32 to vector<8x1920xf32>
    %min3A_54 = arith.minimumf %min3A_53, %max3A_52 : vector<8x1920xf32>
    %convert_element_type3A_55 = arith.sitofp %min3A_34 : vector<8x1920xi32> to vector<8x1920xf32>
    %sub3A_56 = arith.subf %min3A_54, %convert_element_type3A_55 : vector<8x1920xf32>
    %get3A_57 = arith.constant 0 : index
    %get3A_58 = arith.constant 0 : index
    %get3A_59 = arith.constant 0 : index
    %get3A_60 = arith.constant 0 : index
    %get3A_61 = vector.load %arg4[%get3A_57, %get3A_58, %get3A_59, %get3A_60] : memref<1x1x8x1920xf32, #tpu.memory_space<vmem>>, vector<1x1x8x1920xf32>
    %get3A_62 = vector.shape_cast %get3A_61 : vector<1x1x8x1920xf32> to vector<8x1920xf32>
    %jit3A_63 = arith.constant 0.000000e+00 : f32
    %jit3A_64 = arith.constant 1.000000e+03 : f32
    %max3A_65 = vector.broadcast %jit3A_63 : f32 to vector<8x1920xf32>
    %max3A_66 = arith.maximumf %max3A_65, %get3A_62 : vector<8x1920xf32>
    %min3A_67 = vector.broadcast %jit3A_64 : f32 to vector<8x1920xf32>
    %min3A_68 = arith.minimumf %min3A_67, %max3A_66 : vector<8x1920xf32>
    %log1p3A = math.log1p %min3A_68 : vector<8x1920xf32>
    %neg3A = arith.constant 0.000000e+00 : f32
    %neg3A_69 = arith.subf %neg3A, %get3A_2 : f32
    %mul3A_70 = vector.broadcast %neg3A_69 : f32 to vector<8x1920xf32>
    %mul3A_71 = arith.mulf %log1p3A, %mul3A_70 : vector<8x1920xf32>
    %exp3A = math.exp %mul3A_71 : vector<8x1920xf32>
    %sub3A_72 = arith.constant 1.000000e+00 : f32
    %sub3A_73 = vector.broadcast %sub3A_72 : f32 to vector<8x1920xf32>
    %sub3A_74 = arith.subf %sub3A_73, %sub3A_56 : vector<8x1920xf32>
    %mul3A_75 = arith.mulf %sub3A_74, %exp3A : vector<8x1920xf32>
    %mul3A_76 = arith.mulf %sub3A_56, %exp3A : vector<8x1920xf32>
    %sub3A_77 = arith.constant 1.000000e+00 : f32
    %sub3A_78 = vector.broadcast %sub3A_77 : f32 to vector<8x1920xf32>
    %sub3A_79 = arith.subf %sub3A_78, %sub3A : vector<8x1920xf32>
    %get3A_80 = arith.constant 0 : index
    %get3A_81 = arith.constant 0 : index
    %get3A_82 = arith.constant 0 : index
    %get3A_83 = arith.constant 0 : index
    %get3A_84 = vector.load %arg3[%get3A_80, %get3A_81, %get3A_82, %get3A_83] : memref<1x3x8x1920xf32, #tpu.memory_space<vmem>>, vector<1x3x8x1920xf32>
    %get3A_85 = vector.shape_cast %get3A_84 : vector<1x3x8x1920xf32> to vector<3x8x1920xf32>
    %mul3A_86 = arith.constant 1096 : i32
    %mul3A_87 = arith.muli %arg0, %mul3A_86 : i32
    %add3A_88 = vector.broadcast %mul3A_87 : i32 to vector<8x1920xi32>
    %add3A_89 = arith.addi %add3A_88, %min3A_34 : vector<8x1920xi32>
    %add3A_90 = arith.constant 7 : i32
    %add3A_91 = vector.broadcast %add3A_90 : i32 to vector<8x1920xi32>
    %add3A_92 = arith.addi %add3A_89, %add3A_91 : vector<8x1920xi32>
    %mul3A_93 = arith.constant 1922 : i32
    %mul3A_94 = vector.broadcast %mul3A_93 : i32 to vector<8x1920xi32>
    %mul3A_95 = arith.muli %add3A_92, %mul3A_94 : vector<8x1920xi32>
    %add3A_96 = arith.addi %mul3A_95, %min3A_26 : vector<8x1920xi32>
    %sub3A_97 = arith.subi %min3A_41, %min3A_34 : vector<8x1920xi32>
    %mul3A_98 = arith.constant 1922 : i32
    %mul3A_99 = vector.broadcast %mul3A_98 : i32 to vector<8x1920xi32>
    %mul3A_100 = arith.muli %sub3A_97, %mul3A_99 : vector<8x1920xi32>
    %add3A_101 = arith.addi %add3A_96, %mul3A_100 : vector<8x1920xi32>
    %mul3A_102 = arith.mulf %mul3A_75, %sub3A_79 : vector<8x1920xf32>
    %mul3A_103 = arith.mulf %mul3A_76, %sub3A_79 : vector<8x1920xf32>
    %mul3A_104 = arith.mulf %mul3A_75, %sub3A : vector<8x1920xf32>
    %mul3A_105 = arith.mulf %mul3A_76, %sub3A : vector<8x1920xf32>
    %add3A_106 = arith.constant 1 : i32
    %add3A_107 = vector.broadcast %add3A_106 : i32 to vector<8x1920xi32>
    %add3A_108 = arith.addi %add3A_96, %add3A_107 : vector<8x1920xi32>
    %add3A_109 = arith.constant 1 : i32
    %add3A_110 = vector.broadcast %add3A_109 : i32 to vector<8x1920xi32>
    %add3A_111 = arith.addi %add3A_101, %add3A_110 : vector<8x1920xi32>
    %stack3A = vector.shape_cast %add3A_96 : vector<8x1920xi32> to vector<8x1x1920xi32>
    %stack3A_112 = vector.shape_cast %add3A_108 : vector<8x1920xi32> to vector<8x1x1920xi32>
    %stack3A_113 = vector.shape_cast %add3A_101 : vector<8x1920xi32> to vector<8x1x1920xi32>
    %stack3A_114 = vector.shape_cast %add3A_111 : vector<8x1920xi32> to vector<8x1x1920xi32>
    %stack3A_115 = tpu.concatenate %stack3A, %stack3A_112, %stack3A_113, %stack3A_114 in 1 : vector<8x1x1920xi32>, vector<8x1x1920xi32>, vector<8x1x1920xi32>, vector<8x1x1920xi32> -> vector<8x4x1920xi32>
    %swap3A = arith.constant 0 : index
    %swap3A_116 = arith.constant 0 : index
    %swap3A_117 = arith.constant 0 : index
    %swap3A_118 = vector.load %arg6[%swap3A, %swap3A_116, %swap3A_117] : memref<8x4x1920xi32, #tpu.memory_space<vmem>>, vector<8x4x1920xi32>
    tpu.vector_store %arg6[%swap3A, %swap3A_116, %swap3A_117], %stack3A_115 {strides = array<i32>} : memref<8x4x1920xi32, #tpu.memory_space<vmem>>, vector<8x4x1920xi32>,
    %slice3A_119 = vector.extract_strided_slice %get3A_85 {offsets = [0, 0, 0], sizes = [1, 8, 1920], strides = [1, 1, 1]} : vector<3x8x1920xf32> to vector<1x8x1920xf32>
    %squeeze3A_120 = vector.shape_cast %slice3A_119 : vector<1x8x1920xf32> to vector<8x1920xf32>
    %mul3A_121 = arith.mulf %mul3A_102, %squeeze3A_120 : vector<8x1920xf32>
    %slice3A_122 = vector.extract_strided_slice %get3A_85 {offsets = [1, 0, 0], sizes = [1, 8, 1920], strides = [1, 1, 1]} : vector<3x8x1920xf32> to vector<1x8x1920xf32>
    %squeeze3A_123 = vector.shape_cast %slice3A_122 : vector<1x8x1920xf32> to vector<8x1920xf32>
    %mul3A_124 = arith.mulf %mul3A_102, %squeeze3A_123 : vector<8x1920xf32>
    %slice3A_125 = vector.extract_strided_slice %get3A_85 {offsets = [2, 0, 0], sizes = [1, 8, 1920], strides = [1, 1, 1]} : vector<3x8x1920xf32> to vector<1x8x1920xf32>
    %squeeze3A_126 = vector.shape_cast %slice3A_125 : vector<1x8x1920xf32> to vector<8x1920xf32>
    %mul3A_127 = arith.mulf %mul3A_102, %squeeze3A_126 : vector<8x1920xf32>
    %slice3A_128 = vector.extract_strided_slice %get3A_85 {offsets = [0, 0, 0], sizes = [1, 8, 1920], strides = [1, 1, 1]} : vector<3x8x1920xf32> to vector<1x8x1920xf32>
    %squeeze3A_129 = vector.shape_cast %slice3A_128 : vector<1x8x1920xf32> to vector<8x1920xf32>
    %mul3A_130 = arith.mulf %mul3A_104, %squeeze3A_129 : vector<8x1920xf32>
    %slice3A_131 = vector.extract_strided_slice %get3A_85 {offsets = [1, 0, 0], sizes = [1, 8, 1920], strides = [1, 1, 1]} : vector<3x8x1920xf32> to vector<1x8x1920xf32>
    %squeeze3A_132 = vector.shape_cast %slice3A_131 : vector<1x8x1920xf32> to vector<8x1920xf32>
    %mul3A_133 = arith.mulf %mul3A_104, %squeeze3A_132 : vector<8x1920xf32>
    %slice3A_134 = vector.extract_strided_slice %get3A_85 {offsets = [2, 0, 0], sizes = [1, 8, 1920], strides = [1, 1, 1]} : vector<3x8x1920xf32> to vector<1x8x1920xf32>
    %squeeze3A_135 = vector.shape_cast %slice3A_134 : vector<1x8x1920xf32> to vector<8x1920xf32>
    %mul3A_136 = arith.mulf %mul3A_104, %squeeze3A_135 : vector<8x1920xf32>
    %slice3A_137 = vector.extract_strided_slice %get3A_85 {offsets = [0, 0, 0], sizes = [1, 8, 1920], strides = [1, 1, 1]} : vector<3x8x1920xf32> to vector<1x8x1920xf32>
    %squeeze3A_138 = vector.shape_cast %slice3A_137 : vector<1x8x1920xf32> to vector<8x1920xf32>
    %mul3A_139 = arith.mulf %mul3A_103, %squeeze3A_138 : vector<8x1920xf32>
    %slice3A_140 = vector.extract_strided_slice %get3A_85 {offsets = [1, 0, 0], sizes = [1, 8, 1920], strides = [1, 1, 1]} : vector<3x8x1920xf32> to vector<1x8x1920xf32>
    %squeeze3A_141 = vector.shape_cast %slice3A_140 : vector<1x8x1920xf32> to vector<8x1920xf32>
    %mul3A_142 = arith.mulf %mul3A_103, %squeeze3A_141 : vector<8x1920xf32>
    %slice3A_143 = vector.extract_strided_slice %get3A_85 {offsets = [2, 0, 0], sizes = [1, 8, 1920], strides = [1, 1, 1]} : vector<3x8x1920xf32> to vector<1x8x1920xf32>
    %squeeze3A_144 = vector.shape_cast %slice3A_143 : vector<1x8x1920xf32> to vector<8x1920xf32>
    %mul3A_145 = arith.mulf %mul3A_103, %squeeze3A_144 : vector<8x1920xf32>
    %slice3A_146 = vector.extract_strided_slice %get3A_85 {offsets = [0, 0, 0], sizes = [1, 8, 1920], strides = [1, 1, 1]} : vector<3x8x1920xf32> to vector<1x8x1920xf32>
    %squeeze3A_147 = vector.shape_cast %slice3A_146 : vector<1x8x1920xf32> to vector<8x1920xf32>
    %mul3A_148 = arith.mulf %mul3A_105, %squeeze3A_147 : vector<8x1920xf32>
    %slice3A_149 = vector.extract_strided_slice %get3A_85 {offsets = [1, 0, 0], sizes = [1, 8, 1920], strides = [1, 1, 1]} : vector<3x8x1920xf32> to vector<1x8x1920xf32>
    %squeeze3A_150 = vector.shape_cast %slice3A_149 : vector<1x8x1920xf32> to vector<8x1920xf32>
    %mul3A_151 = arith.mulf %mul3A_105, %squeeze3A_150 : vector<8x1920xf32>
    %slice3A_152 = vector.extract_strided_slice %get3A_85 {offsets = [2, 0, 0], sizes = [1, 8, 1920], strides = [1, 1, 1]} : vector<3x8x1920xf32> to vector<1x8x1920xf32>
    %squeeze3A_153 = vector.shape_cast %slice3A_152 : vector<1x8x1920xf32> to vector<8x1920xf32>
    %mul3A_154 = arith.mulf %mul3A_105, %squeeze3A_153 : vector<8x1920xf32>
    %stack3A_155 = vector.shape_cast %mul3A_121 : vector<8x1920xf32> to vector<8x1x1920xf32>
    %stack3A_156 = vector.shape_cast %mul3A_124 : vector<8x1920xf32> to vector<8x1x1920xf32>
    %stack3A_157 = vector.shape_cast %mul3A_127 : vector<8x1920xf32> to vector<8x1x1920xf32>
    %stack3A_158 = vector.shape_cast %mul3A_102 : vector<8x1920xf32> to vector<8x1x1920xf32>
    %stack3A_159 = vector.shape_cast %mul3A_130 : vector<8x1920xf32> to vector<8x1x1920xf32>
    %stack3A_160 = vector.shape_cast %mul3A_133 : vector<8x1920xf32> to vector<8x1x1920xf32>
    %stack3A_161 = vector.shape_cast %mul3A_136 : vector<8x1920xf32> to vector<8x1x1920xf32>
    %stack3A_162 = vector.shape_cast %mul3A_104 : vector<8x1920xf32> to vector<8x1x1920xf32>
    %stack3A_163 = vector.shape_cast %mul3A_139 : vector<8x1920xf32> to vector<8x1x1920xf32>
    %stack3A_164 = vector.shape_cast %mul3A_142 : vector<8x1920xf32> to vector<8x1x1920xf32>
    %stack3A_165 = vector.shape_cast %mul3A_145 : vector<8x1920xf32> to vector<8x1x1920xf32>
    %stack3A_166 = vector.shape_cast %mul3A_103 : vector<8x1920xf32> to vector<8x1x1920xf32>
    %stack3A_167 = vector.shape_cast %mul3A_148 : vector<8x1920xf32> to vector<8x1x1920xf32>
    %stack3A_168 = vector.shape_cast %mul3A_151 : vector<8x1920xf32> to vector<8x1x1920xf32>
    %stack3A_169 = vector.shape_cast %mul3A_154 : vector<8x1920xf32> to vector<8x1x1920xf32>
    %stack3A_170 = vector.shape_cast %mul3A_105 : vector<8x1920xf32> to vector<8x1x1920xf32>
    %stack3A_171 = tpu.concatenate %stack3A_155, %stack3A_156, %stack3A_157, %stack3A_158, %stack3A_159, %stack3A_160, %stack3A_161, %stack3A_162, %stack3A_163, %stack3A_164, %stack3A_165, %stack3A_166, %stack3A_167, %stack3A_168, %stack3A_169, %stack3A_170 in 1 : vector<8x1x1920xf32>, vector<8x1x1920xf32>, vector<8x1x1920xf32>, vector<8x1x1920xf32>, vector<8x1x1920xf32>, vector<8x1x1920xf32>, vector<8x1x1920xf32>, vector<8x1x1920xf32>, vector<8x1x1920xf32>, vector<8x1x1920xf32>, vector<8x1x1920xf32>, vector<8x1x1920xf32>, vector<8x1x1920xf32>, vector<8x1x1920xf32>, vector<8x1x1920xf32>, vector<8x1x1920xf32> -> vector<8x16x1920xf32>
    %swap3A_172 = arith.constant 0 : index
    %swap3A_173 = arith.constant 0 : index
    %swap3A_174 = arith.constant 0 : index
    %swap3A_175 = vector.load %arg7[%swap3A_172, %swap3A_173, %swap3A_174] : memref<8x16x1920xf32, #tpu.memory_space<vmem>>, vector<8x16x1920xf32>
    tpu.vector_store %arg7[%swap3A_172, %swap3A_173, %swap3A_174], %stack3A_171 {strides = array<i32>} : memref<8x16x1920xf32, #tpu.memory_space<vmem>>, vector<8x16x1920xf32>,
    return
  }
  func.func @transform_0(%arg0: i32, %arg1: i32) -> (i32, i32) {
    %c0_i32 = arith.constant 0 : i32
    %c0_i32_0 = arith.constant 0 : i32
    %c0_i32_1 = arith.constant 0 : i32
    return %c0_i32, %c0_i32_0 : i32, i32
  }
  func.func @transform_1(%arg0: i32, %arg1: i32) -> (i32, i32, i32, i32) {
    %c0_i32 = arith.constant 0 : i32
    %c0_i32_0 = arith.constant 0 : i32
    %c0_i32_1 = arith.constant 0 : i32
    return %arg0, %c0_i32, %arg1, %c0_i32_0 : i32, i32, i32, i32
  }
  func.func @transform_2(%arg0: i32, %arg1: i32) -> (i32, i32, i32, i32) {
    %c0_i32 = arith.constant 0 : i32
    %c0_i32_0 = arith.constant 0 : i32
    %c0_i32_1 = arith.constant 0 : i32
    return %arg0, %c0_i32, %arg1, %c0_i32_0 : i32, i32, i32, i32
  }
  func.func @transform_3(%arg0: i32, %arg1: i32) -> (i32, i32, i32, i32) {
    %c0_i32 = arith.constant 0 : i32
    %c0_i32_0 = arith.constant 0 : i32
    %c0_i32_1 = arith.constant 0 : i32
    return %arg0, %c0_i32, %arg1, %c0_i32_0 : i32, i32, i32, i32
  }
  func.func @transform_4(%arg0: i32, %arg1: i32) -> (i32, i32, i32) {
    %mul3A = arith.constant 135 : i32
    %mul3A_0 = arith.muli %arg0, %mul3A : i32
    %add3A = arith.addi %mul3A_0, %arg1 : i32
    %c0_i32 = arith.constant 0 : i32
    %c0_i32_1 = arith.constant 0 : i32
    %c0_i32_2 = arith.constant 0 : i32
    return %add3A, %c0_i32, %c0_i32_1 : i32, i32, i32
  }
  func.func @transform_5(%arg0: i32, %arg1: i32) -> (i32, i32, i32) {
    %mul3A = arith.constant 135 : i32
    %mul3A_0 = arith.muli %arg0, %mul3A : i32
    %add3A = arith.addi %mul3A_0, %arg1 : i32
    %c0_i32 = arith.constant 0 : i32
    %c0_i32_1 = arith.constant 0 : i32
    %c0_i32_2 = arith.constant 0 : i32
    return %add3A, %c0_i32, %c0_i32_1 : i32, i32, i32
  }
}

module attributes {stable_mosaic.version = 14 : i64} {
  func.func @_compose_body(%arg0: i32, %arg1: i32, %arg2: memref<1x4x8x1922xf32, #tpu.memory_space<vmem>>, %arg3: memref<1x3x8x1920xf32, #tpu.memory_space<vmem>>, %arg4: memref<1x3x8x1920xf32, #tpu.memory_space<vmem>>, %arg5: memref<1x1x8x1920xf32, #tpu.memory_space<vmem>>) attributes {dimension_semantics = [#tpu.dimension_semantics<arbitrary>, #tpu.dimension_semantics<arbitrary>], iteration_bounds = array<i64: 2, 135>, scalar_prefetch = 0 : i64, scratch_operands = 0 : i64, tpu.core_type = #tpu.core_type<tc>, window_params = [{transform_indices = @transform_0, window_bounds = array<i64: 1, 4, 8, 1922>}, {transform_indices = @transform_1, window_bounds = array<i64: 1, 3, 8, 1920>}, {transform_indices = @transform_2, window_bounds = array<i64: 1, 3, 8, 1920>}, {transform_indices = @transform_3, window_bounds = array<i64: 1, 1, 8, 1920>}]} {
    %get3A = arith.constant 0 : index
    %get3A_0 = arith.constant 0 : index
    %get3A_1 = arith.constant 0 : index
    %get3A_2 = arith.constant 0 : index
    %get3A_3 = vector.load %arg2[%get3A, %get3A_0, %get3A_1, %get3A_2] : memref<1x4x8x1922xf32, #tpu.memory_space<vmem>>, vector<1x4x8x1922xf32>
    %slice3A = vector.extract_strided_slice %get3A_3 {offsets = [0, 0, 0, 1], sizes = [1, 4, 8, 1920], strides = [1, 1, 1, 1]} : vector<1x4x8x1922xf32> to vector<1x4x8x1920xf32>
    %slice3A_4 = vector.extract_strided_slice %slice3A {offsets = [0, 0, 0, 0], sizes = [1, 3, 8, 1920], strides = [1, 1, 1, 1]} : vector<1x4x8x1920xf32> to vector<1x3x8x1920xf32>
    %slice3A_5 = vector.extract_strided_slice %slice3A {offsets = [0, 3, 0, 0], sizes = [1, 1, 8, 1920], strides = [1, 1, 1, 1]} : vector<1x4x8x1920xf32> to vector<1x1x8x1920xf32>
    %gt3A = arith.constant 0.000000e+00 : f32
    %gt3A_6 = vector.broadcast %gt3A : f32 to vector<1x1x8x1920xf32>
    %gt3A_7 = arith.cmpf ogt, %slice3A_5, %gt3A_6 : vector<1x1x8x1920xf32>
    %jit3A = arith.constant 1.000000e+00 : f32
    %broadcast_in_dim3A = vector.broadcast %jit3A : f32 to vector<1x1x8x1920xf32>
    %select_n3A = arith.select %gt3A_7, %slice3A_5, %broadcast_in_dim3A : vector<1x1x8x1920xi1>, vector<1x1x8x1920xf32>
    %div3A = vector.broadcast %select_n3A : vector<1x1x8x1920xf32> to vector<1x3x8x1920xf32>
    %div3A_8 = arith.divf %slice3A_4, %div3A : vector<1x3x8x1920xf32>
    %jit3A_9 = arith.constant -1.000000e+00 : f32
    %broadcast_in_dim3A_10 = vector.shape_cast %gt3A_7 : vector<1x1x8x1920xi1> to vector<1x1x8x1920xi1>
    %broadcast_in_dim3A_11 = vector.broadcast %broadcast_in_dim3A_10 : vector<1x1x8x1920xi1> to vector<1x3x8x1920xi1>
    %broadcast_in_dim3A_12 = vector.broadcast %jit3A_9 : f32 to vector<1x3x8x1920xf32>
    %select_n3A_13 = arith.select %broadcast_in_dim3A_11, %div3A_8, %broadcast_in_dim3A_12 : vector<1x3x8x1920xi1>, vector<1x3x8x1920xf32>
    %jit3A_14 = arith.constant -1.000000e+00 : f32
    %jit3A_15 = arith.constant 1.000000e+00 : f32
    %max3A = vector.broadcast %jit3A_14 : f32 to vector<1x3x8x1920xf32>
    %max3A_16 = arith.maximumf %max3A, %select_n3A_13 : vector<1x3x8x1920xf32>
    %min3A = vector.broadcast %jit3A_15 : f32 to vector<1x3x8x1920xf32>
    %min3A_17 = arith.minimumf %min3A, %max3A_16 : vector<1x3x8x1920xf32>
    %convert_element_type3A = arith.extui %gt3A_7 : vector<1x1x8x1920xi1> to vector<1x1x8x1920xi32>
    %convert_element_type3A_18 = arith.sitofp %convert_element_type3A : vector<1x1x8x1920xi32> to vector<1x1x8x1920xf32>
    %mul3A = vector.broadcast %convert_element_type3A_18 : vector<1x1x8x1920xf32> to vector<1x3x8x1920xf32>
    %mul3A_19 = arith.mulf %mul3A, %min3A_17 : vector<1x3x8x1920xf32>
    %sub3A = arith.constant 1.000000e+00 : f32
    %sub3A_20 = vector.broadcast %sub3A : f32 to vector<1x1x8x1920xf32>
    %sub3A_21 = arith.subf %sub3A_20, %convert_element_type3A_18 : vector<1x1x8x1920xf32>
    %get3A_22 = arith.constant 0 : index
    %get3A_23 = arith.constant 0 : index
    %get3A_24 = arith.constant 0 : index
    %get3A_25 = arith.constant 0 : index
    %get3A_26 = vector.load %arg3[%get3A_22, %get3A_23, %get3A_24, %get3A_25] : memref<1x3x8x1920xf32, #tpu.memory_space<vmem>>, vector<1x3x8x1920xf32>
    %mul3A_27 = vector.broadcast %sub3A_21 : vector<1x1x8x1920xf32> to vector<1x3x8x1920xf32>
    %mul3A_28 = arith.mulf %mul3A_27, %get3A_26 : vector<1x3x8x1920xf32>
    %add3A = arith.addf %mul3A_19, %mul3A_28 : vector<1x3x8x1920xf32>
    %swap3A = arith.constant 0 : index
    %swap3A_29 = arith.constant 0 : index
    %swap3A_30 = arith.constant 0 : index
    %swap3A_31 = arith.constant 0 : index
    %swap3A_32 = vector.load %arg4[%swap3A, %swap3A_29, %swap3A_30, %swap3A_31] : memref<1x3x8x1920xf32, #tpu.memory_space<vmem>>, vector<1x3x8x1920xf32>
    tpu.vector_store %arg4[%swap3A, %swap3A_29, %swap3A_30, %swap3A_31], %add3A {strides = array<i32>} : memref<1x3x8x1920xf32, #tpu.memory_space<vmem>>, vector<1x3x8x1920xf32>,
    %swap3A_33 = arith.constant 0 : index
    %swap3A_34 = arith.constant 0 : index
    %swap3A_35 = arith.constant 0 : index
    %swap3A_36 = arith.constant 0 : index
    %swap3A_37 = vector.load %arg5[%swap3A_33, %swap3A_34, %swap3A_35, %swap3A_36] : memref<1x1x8x1920xf32, #tpu.memory_space<vmem>>, vector<1x1x8x1920xf32>
    tpu.vector_store %arg5[%swap3A_33, %swap3A_34, %swap3A_35, %swap3A_36], %convert_element_type3A_18 {strides = array<i32>} : memref<1x1x8x1920xf32, #tpu.memory_space<vmem>>, vector<1x1x8x1920xf32>,
    return
  }
  func.func @transform_0(%arg0: i32, %arg1: i32) -> (i32, i32, i32, i32) {
    %add3A = arith.constant 1 : i32
    %add3A_0 = arith.addi %arg1, %add3A : i32
    %c0_i32 = arith.constant 0 : i32
    %c0_i32_1 = arith.constant 0 : i32
    %c0_i32_2 = arith.constant 0 : i32
    return %arg0, %c0_i32, %add3A_0, %c0_i32_1 : i32, i32, i32, i32
  }
  func.func @transform_1(%arg0: i32, %arg1: i32) -> (i32, i32, i32, i32) {
    %c0_i32 = arith.constant 0 : i32
    %c0_i32_0 = arith.constant 0 : i32
    %c0_i32_1 = arith.constant 0 : i32
    return %arg0, %c0_i32, %arg1, %c0_i32_0 : i32, i32, i32, i32
  }
  func.func @transform_2(%arg0: i32, %arg1: i32) -> (i32, i32, i32, i32) {
    %c0_i32 = arith.constant 0 : i32
    %c0_i32_0 = arith.constant 0 : i32
    %c0_i32_1 = arith.constant 0 : i32
    return %arg0, %c0_i32, %arg1, %c0_i32_0 : i32, i32, i32, i32
  }
  func.func @transform_3(%arg0: i32, %arg1: i32) -> (i32, i32, i32, i32) {
    %c0_i32 = arith.constant 0 : i32
    %c0_i32_0 = arith.constant 0 : i32
    %c0_i32_1 = arith.constant 0 : i32
    return %arg0, %c0_i32, %arg1, %c0_i32_0 : i32, i32, i32, i32
  }
}

</mosaic_0001>

<sc_bundles>
// kernel: scatter_offload_async_start
scs
__scs_entry_jumppad:
0x0: {  	(pc) =	sbr.rel $0x88, $3  }
0x1: {  	(tag) =	ssettag $0x0;
	lr =	simm.s32 $0x1  }
0x2: {  	[smem:$0x3F9D] =	sst lr;
	_ =	strace $0xD0000000  }
0x3: {  	_ = 	snop  }
0x4: {  	_ = 	snop  }
0x5: {  	_ = 	snop  }
0x6: {  	_ = 	snop  }
0x7: {  	_ = 	snop  }
__scs_overlays_trampoline_lowered:
0x8: {  	[smem:$0x3FAC] =	sst s0  }
0x9: {  	[smem:$0x3FAD] =	sst s1  }
0xa: {  	[smem:$0x3FAE] =	sst s2  }
0xb: {  	[smem:$0x3FAF] =	sst s3  }
0xc: {  	[smem:$0x3FB0] =	sst s4  }
0xd: {  	[smem:$0x3FB1] =	sst s5  }
0xe: {  	[smem:$0x3FB2] =	sst s6  }
0xf: {  	[smem:$0x3FB3] =	sst s7  }
0x10: {  	[smem:$0x3FB4] =	sst s8  }
0x11: {  	[smem:$0x3FB5] =	sst s9;
	s0 =	simm.s32 @!p0 $0x0  }
0x12: {  	s1 =	sld [smem:$0x3F9B];
	s0 =	simm.s32 @p0 $0x1  }
0x13: {  	[smem:$0x3FB6] =	sst s0;
	s0 =	simm.s32 @!p1 $0x0  }
0x14: {  	s2 =	sld [smem:$0x3F9A];
	s0 =	simm.s32 @p1 $0x1  }
0x15: {  	[smem:$0x3FB7] =	sst s0;
	s0 =	simm.s32 @!p2 $0x0  }
0x16: {  	s3 =	sld [smem:$0x3FDB];
	s0 =	simm.s32 @p2 $0x1  }
0x17: {  	s4 =	simm.s32 $0x1BF5;
	[smem:$0x3FB9] =	sst s0  }
0x18: {  	s0 =	sld [smem:$0x3F9C];
	_ =	swait.ge [sflag:s4], $0x0  }
0x19: {  	s7 =	sld [smem:$0x3F9D]  }
0x1a: {  	s8 =	sadd.s32 $0xFFFFE003, lr  }
0x1b: {  	s9 =	sadd.s32 $0xFFFFFEF7, lr;
	s5 =	simm.s32 $0xFFFFFFFF;
	p2 =	slt.u32 s8, $0xFFFFF086  }
0x1c: {  	p1 =	slt.u32 s9, $0xF7A;
	s5 =	simm.s32 @!p2 $0x0  }
0x1d: {  	s5 =	simm.s32 @p1 $0x1;
	p0 =	seq.s32 s7, s2  }
0x1e: {  	s7 =	smul.u32 @!p0 $0xF7A, s2;
	p2 =	seq.s32 @!p0 s5, $0x0  }
0x1f: {  	s9 =	smul.u32 $0xF7A, s1;
	s8 =	simm.s32 @!p0 $0x1BF5;
	p2 =	por !p2, p0  }
0x20: {  	[sflag:s8] =	ssyncset.s32 @!p0 $0xFFFFF086;
	s6 =	sadd.s32 @!p0 s3, s7;
	s7 =	simm.s32 @!p0 $0x108  }
0x21: {  	s3 =	sadd.s32 s3, s9;
	s6 =	sadd.s32 @!p0 $0x88, s6;
	s7 =	simm.s32 @p2 $0x1082  }
0x22: {  	[simem:s7], [sflag:s8] =	dma.local @!p0 [hbm:s6], $0xF7A  }
0x23: {  	s9 =	sor.u32 $0xD0000000, s2;
	s6 =	simm.s32 $0x108;
	_ =	swait.ge @!p0 [sflag:s8], $0x0  }
0x24: {  	s3 =	sadd.s32 $0x88, s3;
	s6 =	simm.s32 @!p1 $0x1082;
	[sflag:s4] =	ssyncset.s32 $0xFFFFF086  }
0x25: {  	[simem:s6], [sflag:s4] =	dma.local [hbm:s3], $0xF7A  }
0x26: {  	[smem:$0x3F9D] =	sst s1;
	(tag) =	ssettag s2;
	_ =	strace s9  }
0x27: {  	s1 =	sld [smem:$0x3FAD]  }
0x28: {  	s2 =	sld [smem:$0x3FAE]  }
0x29: {  	s4 =	sld [smem:$0x3FB0]  }
0x2a: {  	p0 =	seq.s32 s5, $0x0;
	s5 =	sld [smem:$0x3FB1]  }
0x2b: {  	s6 =	sld [smem:$0x3FB2]  }
0x2c: {  	s7 =	sld [smem:$0x3FB3]  }
0x2d: {  	s3 =	simm.s32 $0x108;
	s8 =	sld [smem:$0x3FB4]  }
0x2e: {  	s3 =	simm.s32 @!p0 $0x1082;
	s9 =	sld [smem:$0x3FB5]  }
0x2f: {  	lr =	sadd.s32 s0, s3;
	s0 =	sld [smem:$0x3FAC]  }
0x30: {  	s3 =	sld [smem:$0x3FAF]  }
0x31: {  	[smem:$0x3FB8] =	sst s10  }
0x32: {  	s10 =	sld [smem:$0x3FB6];
	_ =	sdelay $0x3  }
0x33: {  	p0 =	seq.s32 s10, $0x1;
	s10 =	sld [smem:$0x3FB8];
	_ =	sdelay $0x3  }
0x34: {  	[smem:$0x3FB8] =	sst s10  }
0x35: {  	s10 =	sld [smem:$0x3FB7];
	_ =	sdelay $0x3  }
0x36: {  	p1 =	seq.s32 s10, $0x1;
	s10 =	sld [smem:$0x3FB8];
	_ =	sdelay $0x3  }
0x37: {  	[smem:$0x3FB8] =	sst s10  }
0x38: {  	s10 =	sld [smem:$0x3FB9]  }
0x39: {  	_ = 	snop;
	(pc) =	sbr.ind lr, $3  }
0x3a: {  	_ = 	snop  }
0x3b: {  	_ = 	snop  }
0x3c: {  	p2 =	seq.s32 s10, $0x1;
	s10 =	sld [smem:$0x3FB8]  }
0x3d: {  	_ =	shalt  }
0x3e: {  	_ =	shalt  }
0x3f: {  	_ =	shalt  }
0x40: {  	_ =	shalt  }
0x41: {  	_ =	shalt  }
0x42: {  	_ =	shalt  }
0x43: {  	_ =	shalt  }
0x44: {  	_ =	shalt  }
0x45: {  	_ =	shalt  }
0x46: {  	_ =	shalt  }
0x47: {  	_ =	shalt  }
0x48: {  	_ =	shalt  }
0x49: {  	_ =	shalt  }
0x4a: {  	_ =	shalt  }
0x4b: {  	_ =	shalt  }
0x4c: {  	_ =	shalt  }
0x4d: {  	_ =	shalt  }
0x4e: {  	_ =	shalt  }
0x4f: {  	_ =	shalt  }
0x50: {  	_ =	shalt  }
0x51: {  	_ =	shalt  }
0x52: {  	_ =	shalt  }
0x53: {  	_ =	shalt  }
0x54: {  	_ =	shalt  }
0x55: {  	_ =	shalt  }
0x56: {  	_ =	shalt  }
0x57: {  	_ =	shalt  }
0x58: {  	_ =	shalt  }
0x59: {  	_ =	shalt  }
0x5a: {  	_ =	shalt  }
0x5b: {  	_ =	shalt  }
0x5c: {  	_ =	shalt  }
0x5d: {  	_ =	shalt  }
0x5e: {  	_ =	shalt  }
0x5f: {  	_ =	shalt  }
0x60: {  	_ =	shalt  }
0x61: {  	_ =	shalt  }
0x62: {  	_ =	shalt  }
0x63: {  	_ =	shalt  }
0x64: {  	_ =	shalt  }
0x65: {  	_ =	shalt  }
0x66: {  	_ =	shalt  }
0x67: {  	_ =	shalt  }
0x68: {  	_ =	shalt  }
0x69: {  	_ =	shalt  }
0x6a: {  	_ =	shalt  }
0x6b: {  	_ =	shalt  }
0x6c: {  	_ =	shalt  }
0x6d: {  	_ =	shalt  }
0x6e: {  	_ =	shalt  }
0x6f: {  	_ =	shalt  }
0x70: {  	_ =	shalt  }
0x71: {  	_ =	shalt  }
0x72: {  	_ =	shalt  }
0x73: {  	_ =	shalt  }
0x74: {  	_ =	shalt  }
0x75: {  	_ =	shalt  }
0x76: {  	_ =	shalt  }
0x77: {  	_ =	shalt  }
0x78: {  	_ =	shalt  }
0x79: {  	_ =	shalt  }
0x7a: {  	_ =	shalt  }
0x7b: {  	_ =	shalt  }
0x7c: {  	_ =	shalt  }
0x7d: {  	_ =	shalt  }
0x7e: {  	_ =	shalt  }
0x7f: {  	_ =	shalt  }
0x80: {  	_ =	shalt  }
0x81: {  	_ =	shalt  }
0x82: {  	_ =	shalt  }
0x83: {  	_ =	shalt  }
0x84: {  	_ =	shalt  }
0x85: {  	_ =	shalt  }
0x86: {  	_ =	shalt  }
0x87: {  	_ =	shalt  }
.Lfunc_end0:
.L_simem_size_0:
called_computation_lowered:
.L_overlay_start_0:
0x88: {  	s2 =	sld [smem:$0x3FD9]  }
0x89: {  	s3 =	sld [smem:$0x3FFE];
	_ =	sdelay $0x1  }
0x8a: {  	s1 =	srdreg.scid  }
0x8b: {  	s0 =	sand.u32 $0x1, s1  }
0x8c: {  	s15 =	sshll.u32 s0, $0xA;
	s2 =	sadd.s32 s3, s2  }
0x8d: {  	s2 =	sadd.s32 s2, s15  }
0x8e: {  	[smem:$0x3FC4] =	sst s2  }
0x8f: {  	_ = 	snop  }
0x90: {  	(tm) =	ssettm $0x1  }
0x91: {  	s16 =	sld [smem:$0x3FFB];
	_ =	sdelay $0x3  }
0x92: {  	_ =	strace s16  }
0x93: {  	s2 =	sld [smem:$0x3FFC];
	_ =	sdelay $0x3  }
0x94: {  	_ =	strace s2  }
0x95: {  	s2 =	sld [smem:$0x3FFD];
	_ =	sdelay $0x3  }
0x96: {  	_ =	strace s2  }
0x97: {  	_ =	strace $0x8FFFFFFF  }
0x98: {  	s17 =	sld [smem:$0x3FDB];
	_ =	sdelay $0x1  }
0x99: {  	s18 =	simm.s32 $_scs_section_size  }
0x9a: {  	s4 =	simm.s32 $_size__tile_overlayer_lowered;
	s5 =	simm.s32 $_tile_overlayer_lowered  }
0x9b: {  	s21 =	simm.s32 $0x1BFF;
	s20 =	sshll.u32 s5, $0x1;
	s2 =	sadd.s32 s18, s17  }
0x9c: {  	s6 =	simm.s32 $0x0;
	s19 =	sshll.u32 s4, $0x1;
	s4 =	sadd.s32 s20, s2  }
0x9d: {  	[timem:s6], [sflag:s21] =	dma.local [hbm:s4], s19  }
0x9e: {  	_ =	swait.ge [sflag:s21], s19  }
0x9f: {  	s3 =	ssub.s32 $0x0, s19;
	[sflag:s21] =	ssyncset.done $0x0  }
0xa0: {  	[sflag:s21] =	ssyncadd.s32 s3;
	_ =	sdelay $0x1  }
0xa1: {  	s22 =	simm.s32 $0x1B8B  }
0xa2: {  	_ =	swait.ge [sflag:s22], $0x1  }
0xa3: {  	[sflag:s22] =	ssyncset.done $0x0  }
0xa4: {  	s23 =	sld [smem:$0x3FFE];
	[sflag:s22] =	ssyncadd.s32 $0xFFFFFFFF  }
0xa5: {  	s25 =	simm.s32 $0x1B8E;
	s24 =	sld [smem:$0x0]  }
0xa6: {  	s26 =	simm.s32 $execute0_lowered;
	[smem:$0x3FD2] =	sst s25  }
0xa7: {  	s5 =	sshll.u32 s26, $0x1;
	_ =	strace $0x8000004C;
	[dreg:$0x1] =	wrdreg $0xFFFFFFFF  }
0xa8: {  	s28 =	simm.s32 $_size_execute0_lowered;
	s2 =	sadd.s32 s2, s5;
	[dreg:$0x0] =	wrdreg $0x0  }
0xa9: {  	s5 =	sshll.u32 s28, $0x1;
	[dreg:$0x2] =	wrdreg s2  }
0xaa: {  	[dreg:$0x3] =	wrdreg s5  }
0xab: {  	[dreg:$0x4] =	wrdreg $0xC0  }
0xac: {  	_ =	task [dreg:s6], $0x5FFFF  }
0xad: {  	[dreg:$0x1] =	wrdreg $0xFFFFFFFF  }
0xae: {  	[dreg:$0x0] =	wrdreg $0x60  }
0xaf: {  	[dreg:$0x2] =	wrdreg s23  }
0xb0: {  	[dreg:$0x3] =	wrdreg s1  }
0xb1: {  	[dreg:$0x4] =	wrdreg s24  }
0xb2: {  	[dreg:$0x5] =	wrdreg $0x9  }
0xb3: {  	_ =	task.clear_ibuf [dreg:s6], $0x6FFFF;
	_ =	strace $0x9000004C  }
0xb4: {  	s29 =	simm.s32 $0x9;
	_ =	strace $0x8000004E  }
0xb5: {  	_ =	swait.ge [sflag:s29], $0x1  }
0xb6: {  	[sflag:s29] =	ssyncadd.s32 $0xFFFFFFFF  }
0xb7: {  	_ =	strace $0x9000004E  }
0xb8: {  	_ =	sfence  }
0xb9: {  	s30 =	sld [smem:$0x0];
	_ =	sdelay $0x2  }
0xba: {  	s31 =	sshll.u32 s1, $0xD;
	s1 =	sshrl.u32 s1, $0x2  }
0xbb: {  	s3 =	sand.u32 $0x4000, s31;
	s1 =	sadd.s32 s1, s30  }
0xbc: {  	s0 =	sor.u32 s3, s0;
	s1 =	sshll.u32 s1, $0x11  }
0xbd: {  	s0 =	sor.u32 s1, s0  }
0xbe: {  	s0 =	sadd.s32 $0x8F2B, s0  }
0xbf: {  	[sflag:s0] =	ssyncadd.remote.s32 $0x1  }
0xc0: {  	_ =	sfence.sel $0xFFFF  }
0xc1: {  	[dreg:$0x0] =	wrdreg $0xFFFFFFFF;
	(pc) =	sbr.abs _section_cstart, $3  }
0xc2: {  	[dreg:$0x1] =	wrdreg $0xFFFFFFFF  }
0xc3: {  	_ =	task.clear_ibuf [dreg:s6], $0x2FFFF;
	_ =	strace $0x9FFFFFFF  }
0xc4: {  	(tm) =	ssettm $0x7FFFFFFF  }
0xc5: {  	_ =	shalt  }
tec
execute0_lowered:
.L_overlay_start_1:
0x0: {  	(tag) =	ssettag $0x1  }
0x1: {  	s10 =	rddreg [dreg:$0x0]  }
0x2: {  	s1 =	rddreg [dreg:$0x1];
	_ =	strace $0x8000004D;
	s0 =	simm.s32 $0x1  }
0x3: {  	v0 =	vimm.s32 $0x0;
	[sflag:s0] =	ssyncpa.u1 $0x0  }
0x4: {  	[tilespmem:$0x28] =	vst v0  }
0x5: {  	[tilespmem:$0x38] =	vst v0  }
0x6: {  	[tilespmem:$0x48] =	vst v0  }
0x7: {  	[tilespmem:$0x58] =	vst v0  }
0x8: {  	[tilespmem:$0x68] =	vst v0  }
0x9: {  	[tilespmem:$0x78] =	vst v0  }
0xa: {  	[tilespmem:$0x88] =	vst v0  }
0xb: {  	[tilespmem:$0x98] =	vst v0  }
0xc: {  	[tilespmem:$0xA8] =	vst v0  }
0xd: {  	[tilespmem:$0xB8] =	vst v0  }
0xe: {  	[tilespmem:$0xC8] =	vst v0  }
0xf: {  	[tilespmem:$0xD8] =	vst v0  }
0x10: {  	[tilespmem:$0xE8] =	vst v0  }
0x11: {  	[tilespmem:$0xF8] =	vst v0  }
0x12: {  	[tilespmem:$0x108] =	vst v0  }
0x13: {  	[tilespmem:$0x118] =	vst v0  }
0x14: {  	[tilespmem:$0x128] =	vst v0  }
0x15: {  	[tilespmem:$0x138] =	vst v0  }
0x16: {  	[tilespmem:$0x148] =	vst v0  }
0x17: {  	[tilespmem:$0x158] =	vst v0  }
0x18: {  	[tilespmem:$0x168] =	vst v0  }
0x19: {  	[tilespmem:$0x178] =	vst v0  }
0x1a: {  	[tilespmem:$0x188] =	vst v0  }
0x1b: {  	[tilespmem:$0x198] =	vst v0  }
0x1c: {  	[tilespmem:$0x1A8] =	vst v0  }
0x1d: {  	[tilespmem:$0x1B8] =	vst v0  }
0x1e: {  	[tilespmem:$0x1C8] =	vst v0  }
0x1f: {  	[tilespmem:$0x1D8] =	vst v0  }
0x20: {  	[tilespmem:$0x1E8] =	vst v0  }
0x21: {  	[tilespmem:$0x1F8] =	vst v0  }
0x22: {  	[tilespmem:$0x208] =	vst v0  }
0x23: {  	[tilespmem:$0x218] =	vst v0  }
0x24: {  	[tilespmem:$0x228] =	vst v0  }
0x25: {  	[tilespmem:$0x238] =	vst v0  }
0x26: {  	[tilespmem:$0x248] =	vst v0  }
0x27: {  	[tilespmem:$0x258] =	vst v0  }
0x28: {  	[tilespmem:$0x268] =	vst v0  }
0x29: {  	[tilespmem:$0x278] =	vst v0  }
0x2a: {  	[tilespmem:$0x288] =	vst v0  }
0x2b: {  	[tilespmem:$0x298] =	vst v0  }
0x2c: {  	[tilespmem:$0x2A8] =	vst v0  }
0x2d: {  	[tilespmem:$0x2B8] =	vst v0  }
0x2e: {  	[tilespmem:$0x2C8] =	vst v0  }
0x2f: {  	[tilespmem:$0x2D8] =	vst v0  }
0x30: {  	[tilespmem:$0x2E8] =	vst v0  }
0x31: {  	[tilespmem:$0x2F8] =	vst v0  }
0x32: {  	[tilespmem:$0x308] =	vst v0  }
0x33: {  	[tilespmem:$0x318] =	vst v0  }
0x34: {  	[tilespmem:$0x328] =	vst v0  }
0x35: {  	[tilespmem:$0x338] =	vst v0  }
0x36: {  	[tilespmem:$0x348] =	vst v0  }
0x37: {  	[tilespmem:$0x358] =	vst v0  }
0x38: {  	[tilespmem:$0x368] =	vst v0  }
0x39: {  	[tilespmem:$0x378] =	vst v0  }
0x3a: {  	[tilespmem:$0x388] =	vst v0  }
0x3b: {  	[tilespmem:$0x398] =	vst v0  }
0x3c: {  	[tilespmem:$0x3A8] =	vst v0  }
0x3d: {  	[tilespmem:$0x3B8] =	vst v0  }
0x3e: {  	[tilespmem:$0x3C8] =	vst v0  }
0x3f: {  	[tilespmem:$0x3D8] =	vst v0  }
0x40: {  	[tilespmem:$0x3E8] =	vst v0  }
0x41: {  	[tilespmem:$0x3F8] =	vst v0  }
0x42: {  	[tilespmem:$0x408] =	vst v0  }
0x43: {  	[tilespmem:$0x418] =	vst v0  }
0x44: {  	[tilespmem:$0x428] =	vst v0  }
0x45: {  	[tilespmem:$0x438] =	vst v0  }
0x46: {  	[tilespmem:$0x448] =	vst v0  }
0x47: {  	[tilespmem:$0x458] =	vst v0  }
0x48: {  	[tilespmem:$0x468] =	vst v0  }
0x49: {  	[tilespmem:$0x478] =	vst v0  }
0x4a: {  	[tilespmem:$0x488] =	vst v0  }
0x4b: {  	[tilespmem:$0x498] =	vst v0  }
0x4c: {  	[tilespmem:$0x4A8] =	vst v0  }
0x4d: {  	[tilespmem:$0x4B8] =	vst v0  }
0x4e: {  	[tilespmem:$0x4C8] =	vst v0  }
0x4f: {  	[tilespmem:$0x4D8] =	vst v0  }
0x50: {  	[tilespmem:$0x4E8] =	vst v0  }
0x51: {  	[tilespmem:$0x4F8] =	vst v0  }
0x52: {  	[tilespmem:$0x508] =	vst v0  }
0x53: {  	[tilespmem:$0x518] =	vst v0  }
0x54: {  	[tilespmem:$0x528] =	vst v0  }
0x55: {  	[tilespmem:$0x538] =	vst v0  }
0x56: {  	[tilespmem:$0x548] =	vst v0  }
0x57: {  	[tilespmem:$0x558] =	vst v0  }
0x58: {  	[tilespmem:$0x568] =	vst v0  }
0x59: {  	[tilespmem:$0x578] =	vst v0  }
0x5a: {  	[tilespmem:$0x588] =	vst v0  }
0x5b: {  	[tilespmem:$0x598] =	vst v0  }
0x5c: {  	[tilespmem:$0x5A8] =	vst v0  }
0x5d: {  	[tilespmem:$0x5B8] =	vst v0  }
0x5e: {  	[tilespmem:$0x5C8] =	vst v0  }
0x5f: {  	[tilespmem:$0x5D8] =	vst v0  }
0x60: {  	[tilespmem:$0x5E8] =	vst v0  }
0x61: {  	[tilespmem:$0x5F8] =	vst v0  }
0x62: {  	[tilespmem:$0x608] =	vst v0  }
0x63: {  	[tilespmem:$0x618] =	vst v0  }
0x64: {  	[tilespmem:$0x628] =	vst v0  }
0x65: {  	[tilespmem:$0x638] =	vst v0  }
0x66: {  	[tilespmem:$0x648] =	vst v0  }
0x67: {  	[tilespmem:$0x658] =	vst v0  }
0x68: {  	[tilespmem:$0x668] =	vst v0  }
0x69: {  	[tilespmem:$0x678] =	vst v0  }
0x6a: {  	[tilespmem:$0x688] =	vst v0  }
0x6b: {  	[tilespmem:$0x698] =	vst v0  }
0x6c: {  	[tilespmem:$0x6A8] =	vst v0  }
0x6d: {  	[tilespmem:$0x6B8] =	vst v0  }
0x6e: {  	[tilespmem:$0x6C8] =	vst v0  }
0x6f: {  	[tilespmem:$0x6D8] =	vst v0  }
0x70: {  	[tilespmem:$0x6E8] =	vst v0  }
0x71: {  	[tilespmem:$0x6F8] =	vst v0  }
0x72: {  	[tilespmem:$0x708] =	vst v0  }
0x73: {  	[tilespmem:$0x718] =	vst v0  }
0x74: {  	[tilespmem:$0x728] =	vst v0  }
0x75: {  	[tilespmem:$0x738] =	vst v0  }
0x76: {  	[tilespmem:$0x748] =	vst v0  }
0x77: {  	[tilespmem:$0x758] =	vst v0  }
0x78: {  	[tilespmem:$0x768] =	vst v0  }
0x79: {  	[tilespmem:$0x778] =	vst v0  }
0x7a: {  	[tilespmem:$0x788] =	vst v0  }
0x7b: {  	[tilespmem:$0x798] =	vst v0  }
0x7c: {  	[tilespmem:$0x7A8] =	vst v0  }
0x7d: {  	[tilespmem:$0x7B8] =	vst v0  }
0x7e: {  	[tilespmem:$0x7C8] =	vst v0  }
0x7f: {  	[tilespmem:$0x7D8] =	vst v0  }
0x80: {  	[tilespmem:$0x7E8] =	vst v0  }
0x81: {  	[tilespmem:$0x7F8] =	vst v0  }
0x82: {  	[tilespmem:$0x808] =	vst v0  }
0x83: {  	[tilespmem:$0x818] =	vst v0  }
0x84: {  	[tilespmem:$0x828] =	vst v0  }
0x85: {  	[tilespmem:$0x838] =	vst v0  }
0x86: {  	[tilespmem:$0x848] =	vst v0  }
0x87: {  	[tilespmem:$0x858] =	vst v0  }
0x88: {  	[tilespmem:$0x868] =	vst v0  }
0x89: {  	[tilespmem:$0x878] =	vst v0  }
0x8a: {  	[tilespmem:$0x888] =	vst v0  }
0x8b: {  	[tilespmem:$0x898] =	vst v0  }
0x8c: {  	[tilespmem:$0x8A8] =	vst v0  }
0x8d: {  	[tilespmem:$0x8B8] =	vst v0  }
0x8e: {  	[tilespmem:$0x8C8] =	vst v0  }
0x8f: {  	[tilespmem:$0x8D8] =	vst v0  }
0x90: {  	[tilespmem:$0x8E8] =	vst v0  }
0x91: {  	[tilespmem:$0x8F8] =	vst v0  }
0x92: {  	[tilespmem:$0x908] =	vst v0  }
0x93: {  	[tilespmem:$0x918] =	vst v0  }
0x94: {  	[tilespmem:$0x928] =	vst v0  }
0x95: {  	[tilespmem:$0x938] =	vst v0  }
0x96: {  	[tilespmem:$0x948] =	vst v0  }
0x97: {  	[tilespmem:$0x958] =	vst v0  }
0x98: {  	[tilespmem:$0x968] =	vst v0  }
0x99: {  	[tilespmem:$0x978] =	vst v0  }
0x9a: {  	[tilespmem:$0x988] =	vst v0  }
0x9b: {  	[tilespmem:$0x998] =	vst v0  }
0x9c: {  	[tilespmem:$0x9A8] =	vst v0  }
0x9d: {  	[tilespmem:$0x9B8] =	vst v0  }
0x9e: {  	[tilespmem:$0x9C8] =	vst v0  }
0x9f: {  	[tilespmem:$0x9D8] =	vst v0  }
0xa0: {  	[tilespmem:$0x9E8] =	vst v0  }
0xa1: {  	[tilespmem:$0x9F8] =	vst v0  }
0xa2: {  	[tilespmem:$0xA08] =	vst v0  }
0xa3: {  	[tilespmem:$0xA18] =	vst v0  }
0xa4: {  	[tilespmem:$0xA28] =	vst v0  }
0xa5: {  	[tilespmem:$0xA38] =	vst v0  }
0xa6: {  	[tilespmem:$0xA48] =	vst v0  }
0xa7: {  	[tilespmem:$0xA58] =	vst v0  }
0xa8: {  	[tilespmem:$0xA68] =	vst v0  }
0xa9: {  	[tilespmem:$0xA78] =	vst v0  }
0xaa: {  	[tilespmem:$0xA88] =	vst v0  }
0xab: {  	[tilespmem:$0xA98] =	vst v0  }
0xac: {  	[tilespmem:$0xAA8] =	vst v0  }
0xad: {  	[tilespmem:$0xAB8] =	vst v0  }
0xae: {  	[tilespmem:$0xAC8] =	vst v0  }
0xaf: {  	[tilespmem:$0xAD8] =	vst v0  }
0xb0: {  	[tilespmem:$0xAE8] =	vst v0  }
0xb1: {  	[tilespmem:$0xAF8] =	vst v0  }
0xb2: {  	[tilespmem:$0xB08] =	vst v0  }
0xb3: {  	[tilespmem:$0xB18] =	vst v0  }
0xb4: {  	[tilespmem:$0xB28] =	vst v0  }
0xb5: {  	[tilespmem:$0xB38] =	vst v0  }
0xb6: {  	[tilespmem:$0xB48] =	vst v0  }
0xb7: {  	[tilespmem:$0xB58] =	vst v0  }
0xb8: {  	[tilespmem:$0xB68] =	vst v0  }
0xb9: {  	[tilespmem:$0xB78] =	vst v0  }
0xba: {  	[tilespmem:$0xB88] =	vst v0  }
0xbb: {  	[tilespmem:$0xB98] =	vst v0  }
0xbc: {  	[tilespmem:$0xBA8] =	vst v0  }
0xbd: {  	[tilespmem:$0xBB8] =	vst v0  }
0xbe: {  	[tilespmem:$0xBC8] =	vst v0  }
0xbf: {  	[tilespmem:$0xBD8] =	vst v0  }
0xc0: {  	[tilespmem:$0xBE8] =	vst v0  }
0xc1: {  	[tilespmem:$0xBF8] =	vst v0  }
0xc2: {  	[tilespmem:$0xC08] =	vst v0  }
0xc3: {  	[tilespmem:$0xC18] =	vst v0  }
0xc4: {  	[tilespmem:$0xC28] =	vst v0  }
0xc5: {  	[tilespmem:$0xC38] =	vst v0  }
0xc6: {  	[tilespmem:$0xC48] =	vst v0  }
0xc7: {  	[tilespmem:$0xC58] =	vst v0  }
0xc8: {  	[tilespmem:$0xC68] =	vst v0  }
0xc9: {  	[tilespmem:$0xC78] =	vst v0  }
0xca: {  	[tilespmem:$0xC88] =	vst v0  }
0xcb: {  	[tilespmem:$0xC98] =	vst v0  }
0xcc: {  	[tilespmem:$0xCA8] =	vst v0  }
0xcd: {  	[tilespmem:$0xCB8] =	vst v0  }
0xce: {  	[tilespmem:$0xCC8] =	vst v0  }
0xcf: {  	[tilespmem:$0xCD8] =	vst v0  }
0xd0: {  	[tilespmem:$0xCE8] =	vst v0  }
0xd1: {  	[tilespmem:$0xCF8] =	vst v0  }
0xd2: {  	[tilespmem:$0xD08] =	vst v0  }
0xd3: {  	[tilespmem:$0xD18] =	vst v0  }
0xd4: {  	[tilespmem:$0xD28] =	vst v0  }
0xd5: {  	[tilespmem:$0xD38] =	vst v0  }
0xd6: {  	[tilespmem:$0xD48] =	vst v0  }
0xd7: {  	[tilespmem:$0xD58] =	vst v0  }
0xd8: {  	[tilespmem:$0xD68] =	vst v0  }
0xd9: {  	[tilespmem:$0xD78] =	vst v0  }
0xda: {  	[tilespmem:$0xD88] =	vst v0  }
0xdb: {  	[tilespmem:$0xD98] =	vst v0  }
0xdc: {  	[tilespmem:$0xDA8] =	vst v0  }
0xdd: {  	[tilespmem:$0xDB8] =	vst v0  }
0xde: {  	[tilespmem:$0xDC8] =	vst v0  }
0xdf: {  	[tilespmem:$0xDD8] =	vst v0  }
0xe0: {  	[tilespmem:$0xDE8] =	vst v0  }
0xe1: {  	[tilespmem:$0xDF8] =	vst v0  }
0xe2: {  	[tilespmem:$0xE08] =	vst v0  }
0xe3: {  	[tilespmem:$0xE18] =	vst v0  }
0xe4: {  	[tilespmem:$0xE28] =	vst v0  }
0xe5: {  	[tilespmem:$0xE38] =	vst v0  }
0xe6: {  	[tilespmem:$0xE48] =	vst v0  }
0xe7: {  	[tilespmem:$0xE58] =	vst v0  }
0xe8: {  	[tilespmem:$0xE68] =	vst v0  }
0xe9: {  	[tilespmem:$0xE78] =	vst v0  }
0xea: {  	[tilespmem:$0xE88] =	vst v0  }
0xeb: {  	[tilespmem:$0xE98] =	vst v0  }
0xec: {  	[tilespmem:$0xEA8] =	vst v0  }
0xed: {  	[tilespmem:$0xEB8] =	vst v0  }
0xee: {  	[tilespmem:$0xEC8] =	vst v0  }
0xef: {  	[tilespmem:$0xED8] =	vst v0  }
0xf0: {  	[tilespmem:$0xEE8] =	vst v0  }
0xf1: {  	[tilespmem:$0xEF8] =	vst v0  }
0xf2: {  	[tilespmem:$0xF08] =	vst v0  }
0xf3: {  	[tilespmem:$0xF18] =	vst v0  }
0xf4: {  	[tilespmem:$0xF28] =	vst v0  }
0xf5: {  	[tilespmem:$0xF38] =	vst v0  }
0xf6: {  	[tilespmem:$0xF48] =	vst v0  }
0xf7: {  	[tilespmem:$0xF58] =	vst v0  }
0xf8: {  	[tilespmem:$0xF68] =	vst v0  }
0xf9: {  	[tilespmem:$0xF78] =	vst v0  }
0xfa: {  	[tilespmem:$0xF88] =	vst v0  }
0xfb: {  	[tilespmem:$0xF98] =	vst v0  }
0xfc: {  	[tilespmem:$0xFA8] =	vst v0  }
0xfd: {  	[tilespmem:$0xFB8] =	vst v0  }
0xfe: {  	[tilespmem:$0xFC8] =	vst v0  }
0xff: {  	[tilespmem:$0xFD8] =	vst v0  }
0x100: {  	[tilespmem:$0xFE8] =	vst v0  }
0x101: {  	[tilespmem:$0xFF8] =	vst v0  }
0x102: {  	[tilespmem:$0x1028] =	vst v0  }
0x103: {  	[tilespmem:$0x1038] =	vst v0  }
0x104: {  	[tilespmem:$0x1B28] =	vst v0  }
0x105: {  	[tilespmem:$0x1048] =	vst v0  }
0x106: {  	[tilespmem:$0x1058] =	vst v0  }
0x107: {  	[tilespmem:$0x1B18] =	vst v0  }
0x108: {  	[tilespmem:$0x1B08] =	vst v0  }
0x109: {  	[tilespmem:$0x1AF8] =	vst v0  }
0x10a: {  	[tilespmem:$0x1AE8] =	vst v0  }
0x10b: {  	[tilespmem:$0x1AD8] =	vst v0  }
0x10c: {  	[tilespmem:$0x1AC8] =	vst v0  }
0x10d: {  	[tilespmem:$0x1AB8] =	vst v0  }
0x10e: {  	[tilespmem:$0x1AA8] =	vst v0  }
0x10f: {  	[tilespmem:$0x1A98] =	vst v0  }
0x110: {  	[tilespmem:$0x1A88] =	vst v0  }
0x111: {  	[tilespmem:$0x1A78] =	vst v0  }
0x112: {  	[tilespmem:$0x1A68] =	vst v0  }
0x113: {  	[tilespmem:$0x1A58] =	vst v0  }
0x114: {  	[tilespmem:$0x1A48] =	vst v0  }
0x115: {  	[tilespmem:$0x1A38] =	vst v0  }
0x116: {  	[tilespmem:$0x1A28] =	vst v0  }
0x117: {  	[tilespmem:$0x1A18] =	vst v0  }
0x118: {  	[tilespmem:$0x1A08] =	vst v0  }
0x119: {  	[tilespmem:$0x19F8] =	vst v0  }
0x11a: {  	[tilespmem:$0x19E8] =	vst v0  }
0x11b: {  	[tilespmem:$0x19D8] =	vst v0  }
0x11c: {  	[tilespmem:$0x19C8] =	vst v0  }
0x11d: {  	[tilespmem:$0x19B8] =	vst v0  }
0x11e: {  	[tilespmem:$0x19A8] =	vst v0  }
0x11f: {  	[tilespmem:$0x1998] =	vst v0  }
0x120: {  	[tilespmem:$0x1988] =	vst v0  }
0x121: {  	[tilespmem:$0x1978] =	vst v0  }
0x122: {  	[tilespmem:$0x1968] =	vst v0  }
0x123: {  	[tilespmem:$0x1958] =	vst v0  }
0x124: {  	[tilespmem:$0x1948] =	vst v0  }
0x125: {  	[tilespmem:$0x1938] =	vst v0  }
0x126: {  	[tilespmem:$0x1928] =	vst v0  }
0x127: {  	[tilespmem:$0x1918] =	vst v0  }
0x128: {  	[tilespmem:$0x1908] =	vst v0  }
0x129: {  	[tilespmem:$0x18F8] =	vst v0  }
0x12a: {  	[tilespmem:$0x18E8] =	vst v0  }
0x12b: {  	[tilespmem:$0x18D8] =	vst v0  }
0x12c: {  	[tilespmem:$0x18C8] =	vst v0  }
0x12d: {  	[tilespmem:$0x18B8] =	vst v0  }
0x12e: {  	[tilespmem:$0x18A8] =	vst v0  }
0x12f: {  	[tilespmem:$0x1898] =	vst v0  }
0x130: {  	[tilespmem:$0x1888] =	vst v0  }
0x131: {  	[tilespmem:$0x1878] =	vst v0  }
0x132: {  	[tilespmem:$0x1868] =	vst v0  }
0x133: {  	[tilespmem:$0x1858] =	vst v0  }
0x134: {  	[tilespmem:$0x1848] =	vst v0  }
0x135: {  	[tilespmem:$0x1838] =	vst v0  }
0x136: {  	[tilespmem:$0x1828] =	vst v0  }
0x137: {  	[tilespmem:$0x1818] =	vst v0  }
0x138: {  	[tilespmem:$0x1808] =	vst v0  }
0x139: {  	[tilespmem:$0x17F8] =	vst v0  }
0x13a: {  	[tilespmem:$0x17E8] =	vst v0  }
0x13b: {  	[tilespmem:$0x17D8] =	vst v0  }
0x13c: {  	[tilespmem:$0x17C8] =	vst v0  }
0x13d: {  	[tilespmem:$0x17B8] =	vst v0  }
0x13e: {  	[tilespmem:$0x17A8] =	vst v0  }
0x13f: {  	[tilespmem:$0x1798] =	vst v0  }
0x140: {  	[tilespmem:$0x1788] =	vst v0  }
0x141: {  	[tilespmem:$0x1778] =	vst v0  }
0x142: {  	[tilespmem:$0x1768] =	vst v0  }
0x143: {  	[tilespmem:$0x1758] =	vst v0  }
0x144: {  	[tilespmem:$0x1748] =	vst v0  }
0x145: {  	[tilespmem:$0x1738] =	vst v0  }
0x146: {  	[tilespmem:$0x1728] =	vst v0  }
0x147: {  	[tilespmem:$0x1718] =	vst v0  }
0x148: {  	[tilespmem:$0x1708] =	vst v0  }
0x149: {  	[tilespmem:$0x16F8] =	vst v0  }
0x14a: {  	[tilespmem:$0x16E8] =	vst v0  }
0x14b: {  	[tilespmem:$0x16D8] =	vst v0  }
0x14c: {  	[tilespmem:$0x16C8] =	vst v0  }
0x14d: {  	[tilespmem:$0x16B8] =	vst v0  }
0x14e: {  	[tilespmem:$0x16A8] =	vst v0  }
0x14f: {  	[tilespmem:$0x1698] =	vst v0  }
0x150: {  	[tilespmem:$0x1688] =	vst v0  }
0x151: {  	[tilespmem:$0x1678] =	vst v0  }
0x152: {  	[tilespmem:$0x1668] =	vst v0  }
0x153: {  	[tilespmem:$0x1658] =	vst v0  }
0x154: {  	[tilespmem:$0x1648] =	vst v0  }
0x155: {  	[tilespmem:$0x1638] =	vst v0  }
0x156: {  	[tilespmem:$0x1628] =	vst v0  }
0x157: {  	[tilespmem:$0x1618] =	vst v0  }
0x158: {  	[tilespmem:$0x1608] =	vst v0  }
0x159: {  	[tilespmem:$0x15F8] =	vst v0  }
0x15a: {  	[tilespmem:$0x15E8] =	vst v0  }
0x15b: {  	[tilespmem:$0x15D8] =	vst v0  }
0x15c: {  	[tilespmem:$0x15C8] =	vst v0  }
0x15d: {  	[tilespmem:$0x15B8] =	vst v0  }
0x15e: {  	[tilespmem:$0x15A8] =	vst v0  }
0x15f: {  	[tilespmem:$0x1598] =	vst v0  }
0x160: {  	[tilespmem:$0x1588] =	vst v0  }
0x161: {  	[tilespmem:$0x1578] =	vst v0  }
0x162: {  	[tilespmem:$0x1568] =	vst v0  }
0x163: {  	[tilespmem:$0x1558] =	vst v0  }
0x164: {  	[tilespmem:$0x1548] =	vst v0  }
0x165: {  	[tilespmem:$0x1538] =	vst v0  }
0x166: {  	[tilespmem:$0x1528] =	vst v0  }
0x167: {  	[tilespmem:$0x1518] =	vst v0  }
0x168: {  	[tilespmem:$0x1508] =	vst v0  }
0x169: {  	[tilespmem:$0x14F8] =	vst v0  }
0x16a: {  	[tilespmem:$0x14E8] =	vst v0  }
0x16b: {  	[tilespmem:$0x14D8] =	vst v0  }
0x16c: {  	[tilespmem:$0x14C8] =	vst v0  }
0x16d: {  	[tilespmem:$0x14B8] =	vst v0  }
0x16e: {  	[tilespmem:$0x14A8] =	vst v0  }
0x16f: {  	[tilespmem:$0x1498] =	vst v0  }
0x170: {  	[tilespmem:$0x1488] =	vst v0  }
0x171: {  	[tilespmem:$0x1478] =	vst v0  }
0x172: {  	[tilespmem:$0x1468] =	vst v0  }
0x173: {  	[tilespmem:$0x1458] =	vst v0  }
0x174: {  	[tilespmem:$0x1448] =	vst v0  }
0x175: {  	[tilespmem:$0x1438] =	vst v0  }
0x176: {  	[tilespmem:$0x1428] =	vst v0  }
0x177: {  	[tilespmem:$0x1418] =	vst v0  }
0x178: {  	[tilespmem:$0x1408] =	vst v0  }
0x179: {  	[tilespmem:$0x13F8] =	vst v0  }
0x17a: {  	[tilespmem:$0x13E8] =	vst v0  }
0x17b: {  	[tilespmem:$0x13D8] =	vst v0  }
0x17c: {  	[tilespmem:$0x13C8] =	vst v0  }
0x17d: {  	[tilespmem:$0x13B8] =	vst v0  }
0x17e: {  	[tilespmem:$0x13A8] =	vst v0  }
0x17f: {  	[tilespmem:$0x1398] =	vst v0  }
0x180: {  	[tilespmem:$0x1388] =	vst v0  }
0x181: {  	[tilespmem:$0x1378] =	vst v0  }
0x182: {  	[tilespmem:$0x1368] =	vst v0  }
0x183: {  	[tilespmem:$0x1358] =	vst v0  }
0x184: {  	[tilespmem:$0x1348] =	vst v0  }
0x185: {  	[tilespmem:$0x1338] =	vst v0  }
0x186: {  	[tilespmem:$0x1328] =	vst v0  }
0x187: {  	[tilespmem:$0x1318] =	vst v0  }
0x188: {  	[tilespmem:$0x1308] =	vst v0  }
0x189: {  	[tilespmem:$0x12F8] =	vst v0  }
0x18a: {  	[tilespmem:$0x12E8] =	vst v0  }
0x18b: {  	[tilespmem:$0x12D8] =	vst v0  }
0x18c: {  	[tilespmem:$0x12C8] =	vst v0  }
0x18d: {  	[tilespmem:$0x12B8] =	vst v0  }
0x18e: {  	[tilespmem:$0x12A8] =	vst v0  }
0x18f: {  	[tilespmem:$0x1298] =	vst v0  }
0x190: {  	[tilespmem:$0x1288] =	vst v0  }
0x191: {  	[tilespmem:$0x1278] =	vst v0  }
0x192: {  	[tilespmem:$0x1268] =	vst v0  }
0x193: {  	[tilespmem:$0x1258] =	vst v0  }
0x194: {  	[tilespmem:$0x1248] =	vst v0  }
0x195: {  	[tilespmem:$0x1238] =	vst v0  }
0x196: {  	[tilespmem:$0x1228] =	vst v0  }
0x197: {  	[tilespmem:$0x1218] =	vst v0  }
0x198: {  	[tilespmem:$0x1208] =	vst v0  }
0x199: {  	[tilespmem:$0x11F8] =	vst v0  }
0x19a: {  	[tilespmem:$0x11E8] =	vst v0  }
0x19b: {  	[tilespmem:$0x11D8] =	vst v0  }
0x19c: {  	[tilespmem:$0x11C8] =	vst v0  }
0x19d: {  	[tilespmem:$0x11B8] =	vst v0  }
0x19e: {  	[tilespmem:$0x11A8] =	vst v0  }
0x19f: {  	[tilespmem:$0x1198] =	vst v0  }
0x1a0: {  	[tilespmem:$0x1188] =	vst v0  }
0x1a1: {  	[tilespmem:$0x1178] =	vst v0  }
0x1a2: {  	[tilespmem:$0x1168] =	vst v0  }
0x1a3: {  	[tilespmem:$0x1158] =	vst v0  }
0x1a4: {  	[tilespmem:$0x1148] =	vst v0  }
0x1a5: {  	[tilespmem:$0x1138] =	vst v0  }
0x1a6: {  	[tilespmem:$0x1128] =	vst v0  }
0x1a7: {  	[tilespmem:$0x1118] =	vst v0  }
0x1a8: {  	[tilespmem:$0x1108] =	vst v0  }
0x1a9: {  	[tilespmem:$0x10F8] =	vst v0  }
0x1aa: {  	[tilespmem:$0x10E8] =	vst v0  }
0x1ab: {  	[tilespmem:$0x10D8] =	vst v0  }
0x1ac: {  	[tilespmem:$0x10C8] =	vst v0  }
0x1ad: {  	s28 =	simm.s32 $0x2;
	[tilespmem:$0x10B8] =	vst v0  }
0x1ae: {  	s29 =	stileid.u32;
	s2 =	simm.s32 $0x9;
	s30 =	simm.s32 $0xA;
	[tilespmem:$0x10A8] =	vst v0  }
0x1af: {  	s31 =	simm.s32 $0xB;
	s15 =	simm.s32 $0x0;
	p4 =	por $0x1, $0x1;
	[tilespmem:$0x1098] =	vst v0  }
0x1b0: {  	s16 =	simm.s32 $0xF940;
	s17 =	simm.s32 $0xFFFF;
	p1 =	por $0x0, $0x0;
	[tilespmem:$0x1088] =	vst v0  }
0x1b1: {  	s22 =	simm.s32 $0x0;
	s20 =	simm.s32 $0x0;
	s19 =	simm.s32 $0x0;
	[tilespmem:$0x1078] =	vst v0  }
0x1b2: {  	s26 =	sand.u32 $0x1, s1;
	s3 =	sadd.s32 $0xDD7C00, s10;
	s14 =	smul.u32 $0x7E900, s29;
	[tilespmem:$0x1068] =	vst v0  }
0x1b3: {  	[dreg:$0x5] =	wrdreg s26;
	s1 =	sshll.u32 s29, $0x5;
	[tilespmem:$0x1018] =	vst v0;
	s0 =	smul.u32 $0xFD200, s26  }
.Ltmp0:
0x1b4: {  	[tilespmem:$0x1008] =	vst v0;
	[sflag:s28] =	ssyncpa.u1 $0x0;
	v0 =	vimm.s32 $0xFFFFFFFF;
	[dreg:$0x4] =	wrdreg s1;
	(pc) =	sbr.rel .LBB2_1-.Ltmp0, $4  }
0x1b5: {  	[tilespmem:$0x3648] =	vst v0;
	[sflag:s2] =	ssyncpa.u1 $0x0;
	s12 =	sadd.s32 $0x7E900, s14;
	s0 =	sadd.s32 s0, s10  }
0x1b6: {  	[dreg:$0x6] =	wrdreg s12;
	s18 =	sadd.s32 $0x9E3400, s0;
	s0 =	sadd.s32 $0xBDD800, s0  }
0x1b7: {  	s21 =	smov.u32 s14;
	[sflag:s30] =	ssyncpa.u1 $0x0;
	[dreg:$0x8] =	wrdreg s0  }
0x1b8: {  	v0 =	vlaneseq.u32;
	s10 =	sadd.s32 $0x8873400, s10;
	[sflag:s31] =	ssyncpa.u1 $0x0;
	[dreg:$0x7] =	wrdreg s18  }
.LBB2_16:
0x1b9: {  	s0 =	simm.s32 $0x2  }
0x1ba: {  	_ =	swait.ge [sflag:s0], $0x0  }
0x1bb: {  	[sflag:s0] =	ssyncset.done $0x0;
	s0 =	simm.s32 $0x0  }
.LBB2_17:
0x1bc: {  	s1 =	simm.s32 $0xC  }
0x1bd: {  	_ =	swait.ge [sflag:s1], s0  }
0x1be: {  	s31 =	ssub.s32 $0x0, s0;
	v1 =	vmov s24;
	vm0 =	veq.s32 v0, $0x0;
	[sflag:s1] =	ssyncset.done $0x0  }
0x1bf: {  	vm15 =	veq.s32 v0, $0x2;
	v1 =	vsel vm0, s30, v1;
	[sflag:s1] =	ssyncadd.s32 s31  }
0x1c0: {  	v1 =	vsel vm15, s22, v1;
	[sflag:s1] =	ssyncpa.u1 $0x1  }
0x1c1: {  	[tilespmem:$0x3648] =	vst v1  }
.LBB2_18:
0x1c2: {  	s0 =	sadd.s32 $0x1B0, s21  }
0x1c3: {  	s1 =	smov.u32 s14;
	s19 =	sadd.s32 $0x1, s19;
	p0 =	slt.s32 s0, s12  }
0x1c4: {  	s1 =	smov.u32 @p0 s0;
	p0 =	sne.s32 s19, $0x4B2  }
.Ltmp1:
0x1c5: {  	_ = 	snop;
	(pc) =	sbr.rel @!p0 .LBB2_19-.Ltmp1, $4  }
0x1c6: {  	_ = 	snop  }
0x1c7: {  	s22 =	smov.u32 s20  }
0x1c8: {  	p4 =	por !p4, !p4;
	s20 =	smov.u32 s21;
	s16 =	sadd.s32 $0x6C0, s16  }
0x1c9: {  	s17 =	sadd.s32 $0x1, s17;
	p1 =	por !p1, !p1;
	s21 =	smov.u32 s1  }
.LBB2_1:
0x1ca: {  	p2 =	sgt.u32 s19, $0x4AF  }
0x1cb: {  	s0 =	smul.u32 @!p2 $0xAAAB, s19;
	_ =	sdelay $0x1  }
0x1cc: {  	s1 =	smov.u32 s21;
	p3 =	sgt.s32 @!p2 s21, $0x7E8E50;
	s0 =	sshrl.u32 @!p2 s0, $0x11  }
0x1cd: {  	s2 =	sshra.s32 @!p2 s21, $0x1F;
	p3 =	por !p3, p2;
	s0 =	smul.u32 @!p2 $0x3, s0  }
0x1ce: {  	s2 =	sand.u32 @!p2 s2, s21;
	s1 =	simm.s32 @p3 $0x7E8E50  }
0x1cf: {  	s1 =	ssub.s32 @!p2 s1, s2;
	s0 =	ssub.s32 @!p2 s19, s0  }
0x1d0: {  	s1 =	sadd.s32 @!p2 $0xFF8171B0, s1;
	s0 =	smul.u32 @!p2 $0x6C0, s0  }
0x1d1: {  	s4 =	sand.u32 @!p2 $0x7, s21;
	s2 =	sshll.u32 @!p2 s1, $0x2;
	p3 =	sgt.s32 @!p2 s1, $0x1AF  }
0x1d2: {  	s1 =	ssub.s32 @!p2 $0x6C0, s2;
	p3 =	por !p3, p2;
	s0 =	sand.u32 @!p2 $0xFFC0, s0  }
0x1d3: {  	s2 =	sshrl.u32 @!p2 s21, $0x3;
	s1 =	sshrl.u32 @!p2 s1, $0x2;
	s0 =	sshrl.u32 @!p2 s0, $0x2  }
0x1d4: {  	s2 =	sadd.s32 @!p2 s2, s18;
	s1 =	simm.s32 @!p3 $0x0;
	s0 =	sadd.s32 @!p2 $0x3888, s0  }
0x1d5: {  	[tilespmem:s0], [sflag:$0xA] =	stream.linear.gather @!p2 [hbm4b:s2+s4], s1, $0x38;
	[tilespmem:$0x1F0F8] =	vst v63  }
0x1d6: {  	s0 =	sadd.s32 $0xFFFFFFFF, s19  }
0x1d7: {  	p2 =	sgt.u32 s0, $0x4AF  }
.Ltmp2:
0x1d8: {  	_ = 	snop;
	(pc) =	sbr.rel @p2 .LBB2_5-.Ltmp2, $1  }
0x1d9: {  	_ =	sdelay $0x3  }
0x1da: {  	s1 =	sand.u32 $0xFFFF, s17  }
0x1db: {  	p2 =	sgt.s32 s20, $0x7E8E50;
	s2 =	smov.u32 s20;
	s4 =	sshra.s32 s20, $0x1F  }
0x1dc: {  	s1 =	smul.u32 $0xAAAB, s1;
	s2 =	simm.s32 @!p2 $0x7E8E50;
	s4 =	sand.u32 s4, s20  }
0x1dd: {  	s12 =	smov.u32 s14;
	s0 =	sand.u32 $0x1, s0;
	s2 =	ssub.s32 s2, s4  }
0x1de: {  	s14 =	simm.s32 $0xA;
	s1 =	sshrl.u32 s1, $0x11;
	s2 =	sadd.s32 $0xFF8171B0, s2  }
0x1df: {  	s23 =	sshrl.u32 s20, $0x3;
	s1 =	smul.u32 $0x1440, s1;
	s13 =	sshll.u32 s2, $0x2  }
0x1e0: {  	s25 =	sand.u32 $0x7, s20;
	s0 =	smul.u32 $0x6C0, s0;
	s4 =	ssub.s32 $0x6C0, s13  }
0x1e1: {  	p2 =	sgt.s32 s2, $0x1AF;
	s1 =	ssub.s32 s16, s1;
	s2 =	sshrl.u32 s4, $0x2  }
0x1e2: {  	s0 =	sshrl.u32 s0, $0x2;
	s1 =	sand.u32 $0xFFFC, s1;
	s2 =	simm.s32 @p2 $0x0  }
0x1e3: {  	s0 =	sadd.s32 $0x3D98, s0;
	s1 =	sshrl.u32 s1, $0x2;
	_ =	swait.ge [sflag:s14], s2  }
0x1e4: {  	s18 =	ssub.s32 $0x0, s2;
	[sflag:s14] =	ssyncset.done $0x0;
	s24 =	rddreg [dreg:$0x8]  }
0x1e5: {  	s26 =	sadd.s32 $0x3888, s1;
	[sflag:s14] =	ssyncadd.s32 s18;
	s1 =	sadd.s32 s23, s24  }
0x1e6: {  	[tilespmem:s0], [sflag:$0xB] =	stream.linear.gather [hbm4b:s1+s25], s2, $0x38;
	[tilespmem:$0x1F0F8] =	vst v63  }
0x1e7: {  	v1 =	vld.msk [tilespmem:s26+$0x0], $0xffff;
	_ =	sdelay $0x4  }
0x1e8: {  	v1 =	vshll.u32 v1, $0x4  }
0x1e9: {  	(v2sf) =	vpush v1, $0x0  }
0x1ea: {  	(v2sf) =	vpush v1, $0x1  }
0x1eb: {  	(v2sf) =	vpush v1, $0x2;
	_ =	sdelay $0x2  }
0x1ec: {  	(v2sf) =	vpush v1, $0x3;
	_ =	sdelay $0x1  }
0x1ed: {  	(v2sf) =	vpush v1, $0x4  }
0x1ee: {  	s0 =	simm.s32 $0x1  }
0x1ef: {  	s0 =	simm.s32 @!p4 $0x0;
	(v2sf) =	vpush v1, $0x5  }
0x1f0: {  	s0 =	smul.u32 $0x36000, s0  }
0x1f1: {  	(v2sf) =	vpush v1, $0x6  }
0x1f2: {  	s0 =	sshrl.u32 s0, $0x2  }
0x1f3: {  	s23 =	sadd.s32 $0x4878, s0  }
0x1f4: {  	s30 =	sadd.s32 $0xFFFFF880, s23;
	s4 =	sadd.s32 $0xFFFFF900, s23;
	s5 =	sadd.s32 $0xFFFFF980, s23  }
0x1f5: {  	s9 =	sadd.s32 $0xFFFFFA00, s23;
	s11 =	sadd.s32 $0xFFFFFA80, s23;
	s28 =	spop (v2sf);
	(v2sf) =	vpush v1, $0x7  }
0x1f6: {  	s24 =	sadd.s32 $0xFFFFFB00, s23;
	s29 =	sand.u32 $0x1FFFFFF0, s28;
	s31 =	spop (v2sf)  }
0x1f7: {  	(v2sf) =	vpush v1, $0x8;
	s0 =	sadd.s32 s10, s29;
	s1 =	sand.u32 $0x1FFFFFF0, s31;
	s2 =	spop (v2sf)  }
0x1f8: {  	(v2sf) =	vpush v1, $0x9;
	[tilespmem:s30], [sflag:$0x9] =	stream.linear.gather [hbm4b:s0+s15], $0x4, $0x38;
	[tilespmem:$0x1F0F8] =	vst v63  }
0x1f9: {  	s25 =	sadd.s32 $0xFFFFFB80, s23;
	s31 =	sadd.s32 $0xFFFFFC00, s23;
	s0 =	sadd.s32 s10, s1  }
0x1fa: {  	s1 =	sand.u32 $0x1FFFFFF0, s2;
	s6 =	spop (v2sf);
	(v2sf) =	vpush v1, $0xA;
	s2 =	sadd.s32 $0xFFFFFC80, s23  }
0x1fb: {  	[tilespmem:s4], [sflag:$0x9] =	stream.linear.gather [hbm4b:s0+s15], $0x4, $0x38;
	[tilespmem:$0x1F0F8] =	vst v63  }
0x1fc: {  	s1 =	sadd.s32 s10, s1;
	s7 =	sand.u32 $0x1FFFFFF0, s6;
	s8 =	spop (v2sf);
	(v2sf) =	vpush v1, $0xB  }
0x1fd: {  	[tilespmem:s5], [sflag:$0x9] =	stream.linear.gather [hbm4b:s1+s15], $0x4, $0x38;
	[tilespmem:$0x1F0F8] =	vst v63  }
0x1fe: {  	s0 =	sadd.s32 s10, s7;
	s13 =	spop (v2sf);
	(v2sf) =	vpush v1, $0xC;
	s1 =	sand.u32 $0x1FFFFFF0, s8  }
0x1ff: {  	[tilespmem:s9], [sflag:$0x9] =	stream.linear.gather [hbm4b:s0+s15], $0x4, $0x38;
	[tilespmem:$0x1F0F8] =	vst v63  }
0x200: {  	s14 =	sand.u32 $0x1FFFFFF0, s13;
	s18 =	spop (v2sf);
	(v2sf) =	vpush v1, $0xD;
	s1 =	sadd.s32 s10, s1  }
0x201: {  	[tilespmem:s11], [sflag:$0x9] =	stream.linear.gather [hbm4b:s1+s15], $0x4, $0x38;
	[tilespmem:$0x1F0F8] =	vst v63  }
0x202: {  	s7 =	sadd.s32 $0xFFFFFD00, s23;
	s0 =	sadd.s32 s10, s14;
	s1 =	sand.u32 $0x1FFFFFF0, s18  }
0x203: {  	[tilespmem:s24], [sflag:$0x9] =	stream.linear.gather [hbm4b:s0+s15], $0x4, $0x38;
	[tilespmem:$0x1F0F8] =	vst v63  }
0x204: {  	s8 =	sadd.s32 $0xFFFFFD80, s23;
	s1 =	sadd.s32 s10, s1;
	s28 =	spop (v2sf);
	(v2sf) =	vpush v1, $0xE  }
0x205: {  	[tilespmem:s25], [sflag:$0x9] =	stream.linear.gather [hbm4b:s1+s15], $0x4, $0x38;
	[tilespmem:$0x1F0F8] =	vst v63  }
0x206: {  	s14 =	sadd.s32 $0xFFFFFE00, s23;
	s29 =	sand.u32 $0x1FFFFFF0, s28;
	s30 =	spop (v2sf);
	(v2sf) =	vpush v1, $0xF  }
0x207: {  	s0 =	sadd.s32 s10, s29;
	s1 =	sand.u32 $0x1FFFFFF0, s30;
	s4 =	spop (v2sf)  }
0x208: {  	[tilespmem:s31], [sflag:$0x9] =	stream.linear.gather [hbm4b:s0+s15], $0x4, $0x38;
	[tilespmem:$0x1F0F8] =	vst v63  }
0x209: {  	s1 =	sadd.s32 s10, s1;
	s5 =	sand.u32 $0x1FFFFFF0, s4;
	s6 =	spop (v2sf)  }
0x20a: {  	[tilespmem:s2], [sflag:$0x9] =	stream.linear.gather [hbm4b:s1+s15], $0x4, $0x38;
	[tilespmem:$0x1F0F8] =	vst v63  }
0x20b: {  	s0 =	sadd.s32 s10, s5;
	s9 =	spop (v2sf);
	s1 =	sand.u32 $0x1FFFFFF0, s6  }
0x20c: {  	[tilespmem:s7], [sflag:$0x9] =	stream.linear.gather [hbm4b:s0+s15], $0x4, $0x38;
	[tilespmem:$0x1F0F8] =	vst v63  }
0x20d: {  	s11 =	sand.u32 $0x1FFFFFF0, s9;
	s13 =	spop (v2sf);
	s1 =	sadd.s32 s10, s1  }
0x20e: {  	[tilespmem:s8], [sflag:$0x9] =	stream.linear.gather [hbm4b:s1+s15], $0x4, $0x38;
	[tilespmem:$0x1F0F8] =	vst v63  }
0x20f: {  	s24 =	spop (v2sf);
	s0 =	sadd.s32 s10, s11;
	s1 =	sand.u32 $0x1FFFFFF0, s13  }
0x210: {  	[tilespmem:s14], [sflag:$0x9] =	stream.linear.gather [hbm4b:s0+s15], $0x4, $0x38;
	[tilespmem:$0x1F0F8] =	vst v63  }
0x211: {  	s18 =	sadd.s32 $0xFFFFFE80, s23;
	s25 =	sand.u32 $0x1FFFFFF0, s24;
	s1 =	sadd.s32 s10, s1  }
0x212: {  	[tilespmem:s18], [sflag:$0x9] =	stream.linear.gather [hbm4b:s1+s15], $0x4, $0x38;
	[tilespmem:$0x1F0F8] =	vst v63  }
0x213: {  	s29 =	sadd.s32 $0xFFFFFF00, s23;
	s0 =	sadd.s32 s10, s25;
	s28 =	spop (v2sf)  }
0x214: {  	[tilespmem:s29], [sflag:$0x9] =	stream.linear.gather [hbm4b:s0+s15], $0x4, $0x38;
	[tilespmem:$0x1F0F8] =	vst v63  }
0x215: {  	s26 =	sadd.s32 $0x10, s26;
	s1 =	sand.u32 $0x1FFFFFF0, s28;
	s30 =	spop (v2sf)  }
0x216: {  	s31 =	sadd.s32 $0xFFFFFF80, s23;
	s1 =	sadd.s32 s10, s1;
	s0 =	sand.u32 $0x1FFFFFF0, s30  }
0x217: {  	[tilespmem:s31], [sflag:$0x9] =	stream.linear.gather [hbm4b:s1+s15], $0x4, $0x38;
	[tilespmem:$0x1F0F8] =	vst v63  }
0x218: {  	s24 =	simm.s32 $0x0;
	s25 =	sadd.s32 $0x800, s23;
	s0 =	sadd.s32 s10, s0  }
.LBB2_3:
0x219: {  	[tilespmem:s23], [sflag:$0x9] =	stream.linear.gather [hbm4b:s0+s15], $0x4, $0x38;
	[tilespmem:$0x1F0F8] =	vst v63  }
0x21a: {  	s24 =	sadd.s32 $0x10, s24;
	s23 =	smov.u32 s25  }
0x21b: {  	p2 =	slt.u32 s24, $0x1A0;
	v1 =	vld.msk [tilespmem:s26+$0x0], $0xffff;
	_ =	sdelay $0x4  }
0x21c: {  	v1 =	vshll.u32 v1, $0x4  }
0x21d: {  	(v2sf) =	vpush v1, $0x0  }
0x21e: {  	(v2sf) =	vpush v1, $0x1  }
0x21f: {  	(v2sf) =	vpush v1, $0x2;
	_ =	sdelay $0x1  }
0x220: {  	(v2sf) =	vpush v1, $0x3;
	_ =	sdelay $0x1  }
0x221: {  	(v2sf) =	vpush v1, $0x4;
	_ =	sdelay $0x1  }
0x222: {  	(v2sf) =	vpush v1, $0x5;
	_ =	sdelay $0x1  }
0x223: {  	(v2sf) =	vpush v1, $0x6  }
0x224: {  	s29 =	sadd.s32 $0xFFFFFE80, s25;
	s28 =	sadd.s32 $0xFFFFFF00, s25  }
0x225: {  	s0 =	sadd.s32 $0xFFFFFD00, s25;
	s31 =	sadd.s32 $0xFFFFFD80, s25;
	s30 =	sadd.s32 $0xFFFFFE00, s25;
	(v2sf) =	vpush v1, $0x7  }
0x226: {  	s5 =	sadd.s32 $0xFFFFFB80, s25;
	s2 =	sadd.s32 $0xFFFFFC00, s25;
	s1 =	sadd.s32 $0xFFFFFC80, s25  }
0x227: {  	s4 =	sadd.s32 $0xFFFFFA00, s25;
	s14 =	sadd.s32 $0xFFFFFA80, s25;
	s6 =	sadd.s32 $0xFFFFFB00, s25;
	(v2sf) =	vpush v1, $0x8  }
0x228: {  	s7 =	sadd.s32 $0xFFFFF900, s25;
	s9 =	sadd.s32 $0xFFFFF980, s25;
	s11 =	spop (v2sf)  }
0x229: {  	s13 =	sadd.s32 $0xFFFFF880, s25;
	s11 =	sand.u32 $0x1FFFFFF0, s11;
	s8 =	spop (v2sf);
	(v2sf) =	vpush v1, $0x9  }
0x22a: {  	s11 =	sadd.s32 s10, s11;
	s8 =	sand.u32 $0x1FFFFFF0, s8;
	s18 =	spop (v2sf)  }
0x22b: {  	[tilespmem:s13], [sflag:$0x9] =	stream.linear.gather [hbm4b:s11+s15], $0x4, $0x38;
	(v2sf) =	vpush v1, $0xA;
	[tilespmem:$0x1F0F8] =	vst v63  }
0x22c: {  	s8 =	sadd.s32 s10, s8;
	s11 =	sand.u32 $0x1FFFFFF0, s18;
	s13 =	spop (v2sf)  }
0x22d: {  	[tilespmem:s7], [sflag:$0x9] =	stream.linear.gather [hbm4b:s8+s15], $0x4, $0x38;
	(v2sf) =	vpush v1, $0xB;
	[tilespmem:$0x1F0F8] =	vst v63  }
0x22e: {  	s7 =	sadd.s32 s10, s11;
	s8 =	sand.u32 $0x1FFFFFF0, s13;
	s11 =	spop (v2sf)  }
0x22f: {  	[tilespmem:s9], [sflag:$0x9] =	stream.linear.gather [hbm4b:s7+s15], $0x4, $0x38;
	(v2sf) =	vpush v1, $0xC;
	[tilespmem:$0x1F0F8] =	vst v63  }
0x230: {  	s7 =	sadd.s32 s10, s8;
	s8 =	sand.u32 $0x1FFFFFF0, s11;
	s9 =	spop (v2sf)  }
0x231: {  	[tilespmem:s4], [sflag:$0x9] =	stream.linear.gather [hbm4b:s7+s15], $0x4, $0x38;
	(v2sf) =	vpush v1, $0xD;
	[tilespmem:$0x1F0F8] =	vst v63  }
0x232: {  	s4 =	sadd.s32 s10, s8;
	s7 =	sand.u32 $0x1FFFFFF0, s9;
	s8 =	spop (v2sf)  }
0x233: {  	[tilespmem:s14], [sflag:$0x9] =	stream.linear.gather [hbm4b:s4+s15], $0x4, $0x38;
	(v2sf) =	vpush v1, $0xE;
	[tilespmem:$0x1F0F8] =	vst v63  }
0x234: {  	s4 =	sadd.s32 s10, s7;
	s7 =	sand.u32 $0x1FFFFFF0, s8;
	s8 =	spop (v2sf)  }
0x235: {  	[tilespmem:s6], [sflag:$0x9] =	stream.linear.gather [hbm4b:s4+s15], $0x4, $0x38;
	(v2sf) =	vpush v1, $0xF;
	[tilespmem:$0x1F0F8] =	vst v63  }
0x236: {  	s4 =	sadd.s32 s10, s7;
	s6 =	sand.u32 $0x1FFFFFF0, s8;
	s7 =	spop (v2sf)  }
0x237: {  	[tilespmem:s5], [sflag:$0x9] =	stream.linear.gather [hbm4b:s4+s15], $0x4, $0x38;
	[tilespmem:$0x1F0F8] =	vst v63  }
0x238: {  	s4 =	sadd.s32 s10, s6;
	s5 =	sand.u32 $0x1FFFFFF0, s7;
	s6 =	spop (v2sf)  }
0x239: {  	[tilespmem:s2], [sflag:$0x9] =	stream.linear.gather [hbm4b:s4+s15], $0x4, $0x38;
	[tilespmem:$0x1F0F8] =	vst v63  }
0x23a: {  	s2 =	sadd.s32 s10, s5;
	s4 =	sand.u32 $0x1FFFFFF0, s6;
	s5 =	spop (v2sf)  }
0x23b: {  	[tilespmem:s1], [sflag:$0x9] =	stream.linear.gather [hbm4b:s2+s15], $0x4, $0x38;
	[tilespmem:$0x1F0F8] =	vst v63  }
0x23c: {  	s1 =	sadd.s32 s10, s4;
	s2 =	sand.u32 $0x1FFFFFF0, s5;
	s4 =	spop (v2sf)  }
0x23d: {  	[tilespmem:s0], [sflag:$0x9] =	stream.linear.gather [hbm4b:s1+s15], $0x4, $0x38;
	[tilespmem:$0x1F0F8] =	vst v63  }
0x23e: {  	s0 =	sadd.s32 s10, s2;
	s1 =	sand.u32 $0x1FFFFFF0, s4;
	s2 =	spop (v2sf)  }
0x23f: {  	[tilespmem:s31], [sflag:$0x9] =	stream.linear.gather [hbm4b:s0+s15], $0x4, $0x38;
	[tilespmem:$0x1F0F8] =	vst v63  }
0x240: {  	s0 =	sadd.s32 s10, s1;
	s1 =	sand.u32 $0x1FFFFFF0, s2;
	s2 =	spop (v2sf)  }
0x241: {  	[tilespmem:s30], [sflag:$0x9] =	stream.linear.gather [hbm4b:s0+s15], $0x4, $0x38;
	[tilespmem:$0x1F0F8] =	vst v63  }
0x242: {  	s0 =	sadd.s32 s10, s1;
	s1 =	sand.u32 $0x1FFFFFF0, s2;
	s2 =	spop (v2sf)  }
0x243: {  	[tilespmem:s29], [sflag:$0x9] =	stream.linear.gather [hbm4b:s0+s15], $0x4, $0x38;
	[tilespmem:$0x1F0F8] =	vst v63  }
0x244: {  	s0 =	sadd.s32 s10, s1  }
.Ltmp3:
0x245: {  	s1 =	sand.u32 $0x1FFFFFF0, s2;
	s2 =	spop (v2sf);
	(pc) =	sbr.rel @p2 .LBB2_3-.Ltmp3, $4  }
0x246: {  	[tilespmem:s28], [sflag:$0x9] =	stream.linear.gather [hbm4b:s0+s15], $0x4, $0x38;
	[tilespmem:$0x1F0F8] =	vst v63  }
0x247: {  	s0 =	sadd.s32 s10, s1;
	s1 =	sadd.s32 $0xFFFFFF80, s25;
	s2 =	sand.u32 $0x1FFFFFF0, s2  }
0x248: {  	[tilespmem:s1], [sflag:$0x9] =	stream.linear.gather [hbm4b:s0+s15], $0x4, $0x38;
	[tilespmem:$0x1F0F8] =	vst v63  }
0x249: {  	s26 =	sadd.s32 $0x10, s26;
	s25 =	sadd.s32 $0x800, s25;
	s0 =	sadd.s32 s10, s2  }
0x24a: {  	[tilespmem:s23], [sflag:$0x9] =	stream.linear.gather [hbm4b:s0+s15], $0x4, $0x38;
	[tilespmem:$0x1F0F8] =	vst v63  }
0x24b: {  	s14 =	smov.u32 s12;
	s12 =	rddreg [dreg:$0x6]  }
0x24c: {  	s18 =	rddreg [dreg:$0x7]  }
.LBB2_5:
0x24d: {  	p2 =	slt.u32 s19, $0x2  }
.Ltmp4:
0x24e: {  	_ = 	snop;
	(pc) =	sbr.rel @p2 .LBB2_18-.Ltmp4, $1  }
0x24f: {  	_ =	sdelay $0x3  }
0x250: {  	p2 =	sgt.s32 s22, $0x7E8E50;
	s0 =	smov.u32 s22;
	s1 =	sshra.s32 s22, $0x1F  }
0x251: {  	s0 =	simm.s32 @!p2 $0x7E8E50;
	s1 =	sand.u32 s1, s22  }
0x252: {  	s0 =	ssub.s32 s0, s1  }
0x253: {  	s0 =	sadd.s32 $0xFF8171B0, s0  }
0x254: {  	s2 =	simm.s32 $0x9;
	s30 =	sshll.u32 s0, $0x2  }
0x255: {  	_ =	swait.ge [sflag:s2], $0x6C0;
	s1 =	ssub.s32 $0x6C0, s30  }
0x256: {  	[sflag:s2] =	ssyncset.done $0x0;
	p2 =	sgt.s32 s0, $0x1AF;
	s0 =	sshrl.u32 s1, $0x2  }
0x257: {  	s31 =	simm.s32 $0xB;
	[sflag:s2] =	ssyncadd.s32 $0xFFFFF940;
	s0 =	simm.s32 @p2 $0x0  }
0x258: {  	_ =	swait.ge [sflag:s31], s0  }
0x259: {  	s0 =	ssub.s32 $0x0, s0;
	[sflag:s31] =	ssyncset.done $0x0  }
0x25a: {  	[sflag:s31] =	ssyncadd.s32 s0  }
0x25b: {  	v1 =	vld [tilespmem:$0x3648];
	_ =	sdelay $0x4  }
0x25c: {  	(v2sf) =	vpush v1, $0x0  }
0x25d: {  	(v2sf) =	vpush v1, $0x1  }
0x25e: {  	(v2sf) =	vpush v1, $0x2;
	_ =	sdelay $0x3  }
0x25f: {  	s1 =	sadd.s32 $0x1B0, s22  }
0x260: {  	s2 =	ssub.s32 $0xFD2000, s22;
	p2 =	slt.s32 s12, s1  }
0x261: {  	s1 =	smov.u32 @p2 s12;
	p2 =	sgt.s32 s2, $0x0  }
0x262: {  	s28 =	ssub.s32 s1, s22;
	s2 =	simm.s32 @!p2 $0x0  }
0x263: {  	p2 =	slt.s32 s2, s28  }
0x264: {  	s28 =	smov.u32 @p2 s2  }
0x265: {  	s0 =	simm.s32 $0x1;
	p2 =	slt.s32 s28, $0x1  }
.Ltmp5:
0x266: {  	s0 =	simm.s32 @!p1 $0x0;
	(pc) =	sbr.rel @p2 .LBB2_10-.Ltmp5, $4  }
0x267: {  	s4 =	smul.u32 $0x6C0, s0  }
0x268: {  	s1 =	spop (v2sf)  }
0x269: {  	s4 =	sshrl.u32 s4, $0x2;
	s2 =	spop (v2sf)  }
0x26a: {  	s23 =	sadd.s32 $0x3D98, s4;
	s22 =	spop (v2sf)  }
0x26b: {  	s4 =	smin.u32 s28, $0x10  }
0x26c: {  	v1 =	vmov s4  }
0x26d: {  	p3 =	sgt.s32 s28, $0x10;
	vm1 =	vgt.u32 v1, v0  }
.Ltmp6:
0x26e: {  	_ = 	snop;
	(pc) =	sbr.rel @!p3 .LBB2_9-.Ltmp6, $2  }
0x26f: {  	_ =	sdelay $0x2  }
0x270: {  	s24 =	simm.s32 $0x10;
	s25 =	sadd.s32 $0xFFFFFFF0, s28;
	s5 =	smov.u32 s23;
	vm0 =	vmmov vm1  }
.LBB2_8:
0x271: {  	s4 =	smin.u32 s25, $0x10;
	s24 =	sadd.s32 $0x10, s24;
	v1 =	vld.msk [tilespmem:s5+$0x0 ss:$0x1], vm1  }
0x272: {  	v2 =	vmov s4;
	p3 =	slt.s32 s24, s28  }
0x273: {  	vm1 =	vgt.u32 v2, v0  }
.Ltmp7:
0x274: {  	(pc) =	sbr.rel @p3 .LBB2_8-.Ltmp7, $3  }
0x275: {  	_ =	sdelay $0x1  }
0x276: {  	v1 =	vshll.u32 v1, $0x4  }
0x277: {  	s25 =	sadd.s32 $0xFFFFFFF0, s25;
	[tilespmem:s5+$0x0] =	vst.msk vm0, v1;
	s5 =	sadd.s32 $0x10, s5;
	vm0 =	vmmov vm1  }
.LBB2_9:
0x278: {  	_ =	sdelay $0x4  }
0x279: {  	v1 =	vld.msk [tilespmem:s5+$0x0 ss:$0x1], vm1;
	_ =	sdelay $0x4  }
0x27a: {  	v1 =	vshll.u32 v1, $0x4  }
0x27b: {  	[tilespmem:s5+$0x0] =	vst.msk vm0, v1  }
.LBB2_10:
0x27c: {  	s4 =	sand.u32 $0x1, s19  }
0x27d: {  	s4 =	smul.u32 $0x1B0, s4  }
0x27e: {  	p3 =	sne.s32 s2, $0xFFFFFFFF  }
0x27f: {  	v1 =	vld.msk @!p3 [tilespmem:s4+$0x3D98], $0x1;
	_ =	sdelay $0x4  }
0x280: {  	(v2sf) =	vpush @!p3 v1, $0x0;
	_ =	sdelay $0xc  }
.Ltmp8:
0x281: {  	_ = 	snop;
	(pc) =	sbr.rel @p2 .LBB2_16-.Ltmp8, $4  }
0x282: {  	_ = 	snop  }
0x283: {  	s30 =	spop @!p3 (v2sf)  }
0x284: {  	s31 =	simm.s32 $0xC;
	s22 =	simm.s32 @!p3 $0x0;
	s24 =	smov.u32 s30  }
0x285: {  	[sflag:s31] =	ssyncpa.u1 $0x0;
	s30 =	smov.u32 @p3 s1;
	s24 =	smov.u32 @p3 s2  }
0x286: {  	v1 =	vld.msk [tilespmem:s23+$0x0], $0x1;
	_ =	sdelay $0x4  }
0x287: {  	(v2sf) =	vpush v1, $0x0;
	_ =	sdelay $0xd  }
0x288: {  	s1 =	simm.s32 @!p4 $0x0  }
0x289: {  	s0 =	smul.u32 $0x36000, s0;
	s1 =	simm.s32 @p4 $0x1;
	s2 =	spop (v2sf)  }
0x28a: {  	[smem:$0x7FD] =	sst s1;
	p2 =	seq.s32 s30, s2  }
0x28b: {  	s0 =	sshrl.u32 s0, $0x2;
	s1 =	smov.u32 s30;
	p3 =	sgt.s32 @!p2 s30, $0x0  }
0x28c: {  	s25 =	sadd.s32 $0x40F8, s0;
	s0 =	sadd.s32 $0xFFFFFFFF, s28;
	p3 =	por !p3, p2  }
0x28d: {  	s1 =	simm.s32 @p3 $0x0;
	p3 =	sne.s32 s0, $0x0  }
.Ltmp9:
0x28e: {  	_ = 	snop;
	(pc) =	sbr.rel @!p3 .LBB2_13-.Ltmp9, $4  }
0x28f: {  	_ = 	snop  }
0x290: {  	s26 =	simm.s32 $0x0;
	s5 =	simm.s32 @!p2 $0x1;
	s1 =	smin.u32 @!p2 s1, $0x40491FF  }
0x291: {  	s29 =	simm.s32 @!p2 $0x1B38;
	s5 =	smov.u32 @p2 s26;
	s4 =	sand.u32 @!p2 $0x7FFFFF8, s1  }
0x292: {  	s31 =	sand.u32 @!p2 $0x7, s1;
	s1 =	sadd.s32 $0x1, s23;
	s4 =	sadd.s32 @!p2 s3, s4  }
.LBB2_12:
0x293: {  	s6 =	smov.u32 s5  }
0x294: {  	[tilespmem:s29], [sflag:$0x2] =	stream.linear.gather @!p2 [hbm4b:s4+s31], $0x4, $0x38;
	[tilespmem:$0x1F0F8] =	vst v63  }
0x295: {  	s0 =	sadd.s32 $0xFFFFFFFF, s0;
	s4 =	smov.u32 s2;
	v1 =	vld.msk [tilespmem:s1+$0x0], $0x1  }
0x296: {  	p3 =	sne.s32 s0, $0x0;
	_ =	sdelay $0x3  }
0x297: {  	(v2sf) =	vpush v1, $0x0;
	_ =	sdelay $0xe  }
0x298: {  	s2 =	spop (v2sf)  }
0x299: {  	p2 =	seq.s32 s4, s2  }
0x29a: {  	p4 =	sgt.s32 @!p2 s4, $0x0;
	s7 =	sshll.u32 @!p2 s5, $0x6;
	s5 =	sadd.s32 @!p2 $0x1, s5  }
.Ltmp10:
0x29b: {  	p4 =	por !p4, p2;
	s7 =	sshra.s32 @!p2 s7, $0x2;
	(pc) =	sbr.rel @p3 .LBB2_12-.Ltmp10, $4  }
0x29c: {  	s5 =	smov.u32 @p2 s6;
	s4 =	simm.s32 @p4 $0x0;
	s29 =	sadd.s32 @!p2 $0x1B38, s7  }
0x29d: {  	s4 =	smin.u32 @!p2 s4, $0x40491FF  }
0x29e: {  	s6 =	sand.u32 @!p2 $0x7FFFFF8, s4;
	s31 =	sand.u32 @!p2 $0x7, s4  }
0x29f: {  	s1 =	sadd.s32 $0x1, s1;
	s4 =	sadd.s32 @!p2 s3, s6  }
.LBB2_13:
0x2a0: {  	[tilespmem:s29], [sflag:$0x2] =	stream.linear.gather @!p2 [hbm4b:s4+s31], $0x4, $0x38;
	[tilespmem:$0x1F0F8] =	vst v63  }
0x2a1: {  	s0 =	sshll.u32 s5, $0x2  }
0x2a2: {  	s1 =	simm.s32 $0x2;
	s0 =	sand.u32 $0x3FFFFFFC, s0  }
0x2a3: {  	_ =	swait.ge [sflag:s1], s0  }
0x2a4: {  	s0 =	ssub.s32 $0x0, s0;
	[sflag:s1] =	ssyncset.done $0x0  }
0x2a5: {  	[sflag:s1] =	ssyncadd.s32 s0  }
0x2a6: {  	v1 =	vld.msk [tilespmem:s23+$0x0], $0x1;
	_ =	sdelay $0x4  }
0x2a7: {  	(v2sf) =	vpush v1, $0x0;
	_ =	sdelay $0xe  }
0x2a8: {  	s29 =	spop (v2sf)  }
0x2a9: {  	p2 =	sne.s32 s30, s29  }
0x2aa: {  	p4 =	sne.s32 @p2 s30, s24  }
0x2ab: {  	p3 =	por !p4, !p2  }
0x2ac: {  	s0 =	simm.s32 @!p3 $0x0  }
0x2ad: {  	v1 =	vld.msk @!p3 [tilespmem:s0+$0x1B38], $0xf  }
0x2ae: {  	p5 =	sgt.u32 @!p3 s30, $0x40491FF  }
0x2af: {  	s1 =	sshll.u32 @!p3 s22, $0x6;
	p6 =	por @p2 p5, !p4  }
0x2b0: {  	s1 =	sshra.s32 @!p3 s1, $0x2;
	p0 =	por p6, !p2;
	p6 =	por p4, !p2  }
0x2b1: {  	s2 =	sadd.s32 @!p3 $0x28, s1;
	s4 =	sand.u32 @!p0 $0x7FFFFF8, s30;
	s5 =	sshll.u32 @!p6 s22, $0x6  }
0x2b2: {  	s6 =	sand.u32 @!p0 $0x7, s30;
	[tilespmem:s1+$0x28] =	vst.add.f32.msk @!p3 $0xf, v1;
	s1 =	sadd.s32 @!p0 s3, s4;
	s4 =	sshra.s32 @!p6 s5, $0x2  }
0x2b3: {  	[hbm4b:s1+s6] =	stream.linear.scatter @!p0 [tilespmem:s2], [sflag:$0xC], $0x4, $0x38;
	[tilespmem:$0x1F0F8] =	vst v63  }
0x2b4: {  	s0 =	rddreg [dreg:$0x4];
	s1 =	sadd.s32 @!p6 $0x28, s4;
	s2 =	simm.s32 @!p6 $0x1  }
0x2b5: {  	[spmem:s0] =	stream.linear.scatter @!p6 [tilespmem:s1], [sflag:$0x1], $0x4, $0x38;
	[tilespmem:$0x1F0F8] =	vst v63  }
0x2b6: {  	s0 =	sadd.s32 @p2 $0x1, s22;
	_ =	swait.ge @!p6 [sflag:s2], $0x4  }
0x2b7: {  	s1 =	sshrl.u32 @p2 s0, $0x4;
	[sflag:s2] =	ssyncset.done @!p6 $0x0  }
0x2b8: {  	s1 =	smulhi.u32 @p2 $0x97B425F, s1;
	[sflag:s2] =	ssyncadd.s32 @!p6 $0xFFFFFFFC  }
0x2b9: {  	s28 =	sadd.s32 $0xFFFFFFFF, s28;
	v1 =	vld.msk @p2 [tilespmem:s25+$0x0], $0xf  }
0x2ba: {  	p0 =	por @p2 !p5, !p4;
	p4 =	sne.s32 s28, $0x0;
	s1 =	smul.u32 @p2 $0x1B0, s1  }
.Ltmp11:
0x2bb: {  	p0 =	por !p0, !p2;
	s2 =	simm.s32 @!p3 $0x0;
	(pc) =	sbr.rel @!p4 .LBB2_15-.Ltmp11, $4  }
0x2bc: {  	s30 =	simm.s32 $0x0;
	s2 =	simm.s32 @!p0 $0x10;
	s0 =	ssub.s32 @p2 s0, s1  }
0x2bd: {  	s4 =	sshll.u32 @!p2 s22, $0x6;
	s2 =	sadd.s32 @!p3 $0x0, s2;
	s5 =	sshll.u32 @p2 s0, $0x4  }
0x2be: {  	s1 =	simm.s32 @p2 $0x1;
	s2 =	smov.u32 @p3 s26;
	s22 =	smov.u32 @p2 s0;
	[tilespmem:s5+$0x28] =	vst.msk @p2 $0xf, v1  }
0x2bf: {  	s0 =	sshra.s32 @!p2 s4, $0x2;
	s30 =	smov.u32 @p2 s2;
	s26 =	smov.u32 @p2 s1;
	v1 =	vld.msk @!p2 [tilespmem:s25+$0x0], $0xf  }
.LBB2_14:
0x2c0: {  	_ =	sdelay $0x3  }
0x2c1: {  	s23 =	sadd.s32 $0x1, s23;
	[tilespmem:s0+$0x28] =	vst.add.f32.msk @!p2 $0xf, v1  }
0x2c2: {  	v1 =	vld.msk [tilespmem:s23+$0x0], $0x1;
	_ =	sdelay $0x4  }
0x2c3: {  	(v2sf) =	vpush v1, $0x0;
	_ =	sdelay $0xe  }
0x2c4: {  	s1 =	smov.u32 s29;
	s29 =	spop (v2sf)  }
0x2c5: {  	p2 =	sne.s32 s1, s29  }
0x2c6: {  	p5 =	sne.s32 @p2 s1, s24  }
0x2c7: {  	p4 =	por !p5, !p2  }
0x2c8: {  	s4 =	sadd.s32 @p2 $0x1, s22;
	s6 =	sshll.u32 @!p4 s26, $0x6  }
0x2c9: {  	s2 =	rddreg [dreg:$0x4];
	s5 =	sshrl.u32 @p2 s4, $0x4;
	s6 =	sshra.s32 @!p4 s6, $0x2  }
0x2ca: {  	s7 =	sshll.u32 @!p4 s22, $0x6;
	p0 =	sgt.u32 @!p4 s1, $0x40491FF;
	s5 =	smulhi.u32 @p2 $0x97B425F, s5;
	v1 =	vld.msk @!p4 [tilespmem:s6+$0x1B38], $0xf  }
0x2cb: {  	s8 =	simm.s32 @!p4 $0x0;
	p6 =	por @p2 p0, !p5;
	p0 =	por @p2 !p0, !p5  }
0x2cc: {  	s7 =	sshra.s32 @!p4 s7, $0x2;
	p5 =	por p5, !p2;
	p0 =	por !p0, !p2  }
0x2cd: {  	s6 =	sadd.s32 @!p4 $0x28, s7;
	s8 =	simm.s32 @!p0 $0x10;
	p0 =	por p6, !p2  }
0x2ce: {  	s5 =	smul.u32 @p2 $0x1B0, s5;
	s13 =	sshll.u32 @!p5 s22, $0x6;
	s11 =	sand.u32 @!p0 $0x7FFFFF8, s1  }
0x2cf: {  	s1 =	sand.u32 @!p0 $0x7, s1;
	[tilespmem:s7+$0x28] =	vst.add.f32.msk @!p4 $0xf, v1;
	s7 =	sadd.s32 @!p0 s3, s11;
	s11 =	sshra.s32 @!p5 s13, $0x2  }
0x2d0: {  	[hbm4b:s7+s1] =	stream.linear.scatter @!p0 [tilespmem:s6], [sflag:$0xC], $0x4, $0x38;
	[tilespmem:$0x1F0F8] =	vst v63  }
0x2d1: {  	s4 =	ssub.s32 @p2 s4, s5;
	s5 =	simm.s32 @!p5 $0x1;
	s1 =	sadd.s32 @!p5 $0x28, s11  }
0x2d2: {  	[spmem:s2] =	stream.linear.scatter @!p5 [tilespmem:s1], [sflag:$0x1], $0x4, $0x38;
	[tilespmem:$0x1F0F8] =	vst v63  }
0x2d3: {  	_ =	swait.ge @!p5 [sflag:s5], $0x4  }
0x2d4: {  	[sflag:s5] =	ssyncset.done @!p5 $0x0  }
0x2d5: {  	s25 =	sadd.s32 $0x80, s25;
	[sflag:s5] =	ssyncadd.s32 @!p5 $0xFFFFFFFC  }
0x2d6: {  	s28 =	sadd.s32 $0xFFFFFFFF, s28;
	v1 =	vld.msk @p2 [tilespmem:s25+$0x0], $0xf  }
0x2d7: {  	p3 =	sne.s32 s28, $0x0  }
.Ltmp12:
0x2d8: {  	_ = 	snop;
	(pc) =	sbr.rel @p3 .LBB2_14-.Ltmp12, $4  }
0x2d9: {  	_ = 	snop  }
0x2da: {  	s0 =	sshll.u32 @!p2 s22, $0x6;
	s8 =	sadd.s32 @!p4 s8, s30;
	s6 =	sshll.u32 @p2 s4, $0x4  }
0x2db: {  	s9 =	sadd.s32 @p2 $0x1, s26;
	s0 =	sshra.s32 @!p2 s0, $0x2;
	s8 =	smov.u32 @p4 s30;
	[tilespmem:s6+$0x28] =	vst.msk @p2 $0xf, v1  }
0x2dc: {  	s26 =	smov.u32 @p2 s9;
	s22 =	smov.u32 @p2 s4;
	s30 =	smov.u32 @p2 s8;
	v1 =	vld.msk @!p2 [tilespmem:s25+$0x0], $0xf  }
.LBB2_15:
.Ltmp13:
0x2dd: {  	_ = 	snop;
	(pc) =	sbr.rel .LBB2_17-.Ltmp13, $2  }
0x2de: {  	s1 =	sld [smem:$0x7FD];
	_ =	sdelay $0x2  }
0x2df: {  	p4 =	seq.s32 s1, $0x1;
	[tilespmem:s0+$0x28] =	vst.add.f32.msk @!p2 $0xf, v1;
	s0 =	sshrl.u32 s30, $0x2;
	s30 =	smov.u32 s29  }
.LBB2_19:
0x2e0: {  	_ =	sfence.sel $0x180000  }
0x2e1: {  	s0 =	simm.s32 $0x9;
	[bflag:$0x0] =	sbarrier.arrive $0xFFFF  }
0x2e2: {  	s24 =	simm.s32 $0xA;
	[sflag:s0] =	ssyncpa.u1 $0x1  }
0x2e3: {  	s25 =	simm.s32 $0xB;
	[sflag:s24] =	ssyncpa.u1 $0x1  }
0x2e4: {  	s26 =	simm.s32 $0x2;
	[sflag:s25] =	ssyncpa.u1 $0x1  }
0x2e5: {  	[sflag:s26] =	ssyncpa.u1 $0x1  }
0x2e6: {  	v0 =	vld [tilespmem:$0x3648];
	_ =	sdelay $0x4  }
0x2e7: {  	(v2sf) =	vpush v0, $0x0  }
0x2e8: {  	(v2sf) =	vpush v0, $0x1;
	_ =	sdelay $0x1  }
0x2e9: {  	(v2sf) =	vpush v0, $0x2;
	_ =	sdelay $0xb  }
0x2ea: {  	s0 =	spop (v2sf)  }
0x2eb: {  	s1 =	spop (v2sf)  }
0x2ec: {  	s2 =	smov.u32 s0;
	p0 =	sne.s32 s0, s1  }
0x2ed: {  	s4 =	spop (v2sf);
	s2 =	simm.s32 @!p0 $0xFFFFFFFF  }
0x2ee: {  	v2 =	vimm.s32 $0x1;
	v3 =	vlaneseq.u32;
	p0 =	seq.s32 s4, $0xFFFFFFFF;
	v1 =	vmov s2  }
0x2ef: {  	s14 =	stileid.u32;
	v0 =	vperm.xlane v0, v2;
	p1 =	sne.s32 @!p0 s0, s1;
	v1 =	vperm.xlane v1, v3  }
0x2f0: {  	vm0 =	vcmask $0x3F04;
	s6 =	simm.s32 $0x3648;
	s0 =	simm.s32 @!p0 $0x1;
	p1 =	por !p1, p0  }
0x2f1: {  	s2 =	sshll.u32 s14, $0x1;
	s1 =	sshll.u32 @!p0 s4, $0x6;
	s0 =	simm.s32 @p1 $0x0;
	v0 =	vsel vm0, v1, v0  }
0x2f2: {  	s5 =	sor.u32 $0x200, s2;
	s1 =	sshra.s32 @!p0 s1, $0x2;
	s0 =	sor.u32 @!p0 s0, s2;
	[tilespmem:$0x3648] =	vst v0  }
0x2f3: {  	[spmem:s5] =	stream.linear.scatter [tilespmem:s6], [sflag:$0x1], $0x2, $0x38;
	[tilespmem:$0x1F0F8] =	vst v63  }
0x2f4: {  	s1 =	sadd.s32 @!p0 $0x28, s1;
	s0 =	sshll.u32 @!p0 s0, $0x4  }
0x2f5: {  	[spmem:s0] =	stream.linear.scatter @!p0 [tilespmem:s1], [sflag:$0x1], $0x10, $0x38;
	[tilespmem:$0x1F0F8] =	vst v63  }
0x2f6: {  	s0 =	simm.s32 @!p0 $0x12  }
0x2f7: {  	s28 =	simm.s32 $0x1;
	s0 =	simm.s32 @p0 $0x2  }
0x2f8: {  	_ =	swait.ge [sflag:s28], s0  }
0x2f9: {  	s0 =	ssub.s32 $0x0, s0;
	[sflag:s28] =	ssyncset.done $0x0  }
0x2fa: {  	p0 =	sne.s32 s14, $0x0;
	[sflag:s28] =	ssyncadd.s32 s0  }
.Ltmp14:
0x2fb: {  	_ =	sfence.stream.spmem;
	(pc) =	sbr.rel @p0 .LBB2_36-.Ltmp14, $4  }
0x2fc: {  	s29 =	simm.s32 $0x3;
	[bflag:$0x0] =	sbarrier.arrive $0xFFFF  }
0x2fd: {  	s30 =	simm.s32 $0x4;
	[sflag:s29] =	ssyncpa.u1 $0x1  }
0x2fe: {  	s31 =	simm.s32 $0x3C;
	[sflag:s30] =	ssyncpa.u1 $0x1  }
0x2ff: {  	s13 =	rddreg [dreg:$0x5];
	[sflag:s31] =	ssyncpa.u1 $0x1  }
0x300: {  	_ =	sfence.stream.spmem;
	s0 =	simm.s32 $0x5  }
0x301: {  	s1 =	simm.s32 $0x200;
	s2 =	simm.s32 $0x3658;
	[sflag:s0] =	ssyncpa.u1 $0x0  }
0x302: {  	[tilespmem:s2], [sflag:$0x5] =	stream.linear.gather [spmem:s1], $0x20, $0x38;
	[tilespmem:$0x1F0F8] =	vst v63  }
0x303: {  	s26 =	simm.s32 $0x0;
	s28 =	simm.s32 $0x3678  }
0x304: {  	[tilespmem:s28], [sflag:$0x5] =	stream.linear.gather [spmem:s26], $0x200, $0x38;
	[tilespmem:$0x1F0F8] =	vst v63  }
0x305: {  	_ =	swait.ge [sflag:s0], $0x220  }
0x306: {  	[sflag:s0] =	ssyncset.done $0x0  }
0x307: {  	s29 =	simm.s32 $0x0;
	[sflag:s0] =	ssyncadd.s32 $0xFFFFFDE0  }
0x308: {  	v0 =	vld.msk [tilespmem:s29+$0x3658], $0x1;
	_ =	sdelay $0x1  }
0x309: {  	s30 =	simm.s32 $0x1  }
0x30a: {  	v1 =	vld.msk [tilespmem:s30+$0x3658], $0x1;
	_ =	sdelay $0x1  }
0x30b: {  	(v2sf) =	vpush v0, $0x0;
	_ =	sdelay $0x2  }
0x30c: {  	(v2sf) =	vpush v1, $0x0;
	_ =	sdelay $0x2  }
0x30d: {  	s31 =	simm.s32 $0x2  }
0x30e: {  	v0 =	vld.msk [tilespmem:s31+$0x3658], $0x1;
	_ =	sdelay $0x2  }
0x30f: {  	s1 =	simm.s32 $0xFFFFFFFF;
	s2 =	simm.s32 $0xFFFFFFFF;
	s0 =	simm.s32 $0xC  }
.LBB2_21:
0x310: {  	s4 =	smov.u32 s2;
	s5 =	smov.u32 s1  }
0x311: {  	s1 =	sshra.s32 s0, $0x2;
	p1 =	sne.s32 s0, $0x7C;
	s0 =	sadd.s32 $0x4, s0;
	(v2sf) =	vpush v0, $0x0  }
0x312: {  	v0 =	vld.msk [tilespmem:s1+$0x3658], $0x1  }
.Ltmp15:
0x313: {  	(pc) =	sbr.rel @p1 .LBB2_21-.Ltmp15, $4  }
0x314: {  	s2 =	spop (v2sf)  }
0x315: {  	p2 =	sne.s32 s5, $0xFFFFFFFF;
	s1 =	smov.u32 s2  }
0x316: {  	p3 =	seq.s32 s2, $0xFFFFFFFF;
	s1 =	smov.u32 @p2 s5  }
0x317: {  	s2 =	smov.u32 @p3 s4;
	s1 =	smov.u32 @p3 s5  }
0x318: {  	(v2sf) =	vpush v0, $0x0;
	_ =	sdelay $0x8  }
0x319: {  	s0 =	spop (v2sf)  }
0x31a: {  	p1 =	sne.s32 s1, $0xFFFFFFFF;
	s4 =	smov.u32 s0  }
0x31b: {  	s9 =	simm.s32 $0x6;
	p2 =	seq.s32 s0, $0xFFFFFFFF;
	s4 =	smov.u32 @p1 s1  }
0x31c: {  	s6 =	simm.s32 $0x0;
	s4 =	smov.u32 @p2 s1;
	s1 =	spop (v2sf)  }
0x31d: {  	s0 =	smov.u32 @p2 s2;
	p1 =	sne.s32 s4, $0xFFFFFFFF;
	s5 =	smov.u32 s1  }
.Ltmp16:
0x31e: {  	p2 =	seq.s32 s1, $0xFFFFFFFF;
	s5 =	smov.u32 @p1 s4;
	(pc) =	sbr.rel .LBB2_23-.Ltmp16, $4  }
0x31f: {  	s10 =	simm.s32 $0x3638;
	s5 =	smov.u32 @p2 s4;
	s7 =	spop (v2sf)  }
0x320: {  	s11 =	simm.s32 $0x0;
	p1 =	sne.s32 s5, $0xFFFFFFFF;
	s8 =	smov.u32 s7  }
0x321: {  	s1 =	smov.u32 @p2 s0;
	p2 =	seq.s32 s7, $0xFFFFFFFF;
	s8 =	smov.u32 @p1 s5  }
0x322: {  	[sflag:s9] =	ssyncpa.u1 $0x0;
	s7 =	smov.u32 @p2 s1;
	s8 =	smov.u32 @p2 s5  }
.LBB2_28:
0x323: {  	p1 =	sgt.u32 s0, $0x40491FF  }
0x324: {  	p2 =	seq.s32 @!p1 s0, s8  }
0x325: {  	p1 =	por p1, p2  }
0x326: {  	p2 =	sne.s32 @!p1 s0, s7  }
0x327: {  	p1 =	por p1, !p2  }
0x328: {  	s0 =	sshll.u32 @p1 s11, $0x6  }
0x329: {  	s1 =	sand.u32 @!p1 $0x7FFFFF8, s0  }
0x32a: {  	s0 =	sand.u32 @!p1 $0x7, s0;
	s1 =	sadd.s32 @!p1 s3, s1  }
0x32b: {  	[tilespmem:s10], [sflag:$0x6] =	stream.linear.gather @!p1 [hbm4b:s1+s0], $0x4, $0x38;
	[tilespmem:$0x1F0F8] =	vst v63  }
0x32c: {  	_ =	swait.ge @!p1 [sflag:s9], $0x4  }
0x32d: {  	[sflag:s9] =	ssyncset.done @!p1 $0x0  }
0x32e: {  	[sflag:s9] =	ssyncadd.s32 @!p1 $0xFFFFFFFC  }
0x32f: {  	v1 =	vld @!p1 [tilespmem:$0x3638];
	_ =	sdelay $0x2  }
0x330: {  	s0 =	sshll.u32 @!p1 s11, $0x6  }
0x331: {  	s1 =	sshrl.u32 @!p1 s0, $0x2  }
0x332: {  	[tilespmem:s1+$0x3678] =	vst.add.f32.msk @!p1 $0xffff, v1  }
0x333: {  	s0 =	sshrl.u32 s0, $0x2;
	[tilespmem:s6+$0x3658] =	vst.msk $0x1, v0  }
0x334: {  	v0 =	vld [tilespmem:s0+$0x3678];
	_ =	sdelay $0x2  }
0x335: {  	s31 =	sshll.u32 s6, $0x6  }
0x336: {  	s0 =	sshra.s32 s31, $0x2  }
0x337: {  	s6 =	sadd.s32 $0x1, s6;
	[tilespmem:s0+$0x3678] =	vst v0  }
.LBB2_30:
0x338: {  	s11 =	sadd.s32 $0x1, s11  }
0x339: {  	p1 =	sne.s32 s11, $0x20  }
.Ltmp17:
0x33a: {  	_ = 	snop;
	(pc) =	sbr.rel @!p1 .LBB2_31-.Ltmp17, $1  }
0x33b: {  	_ =	sdelay $0x3  }
.LBB2_23:
0x33c: {  	v0 =	vld.msk [tilespmem:s11+$0x3658], $0x1;
	_ =	sdelay $0x4  }
0x33d: {  	(v2sf) =	vpush v0, $0x0;
	_ =	sdelay $0xe  }
0x33e: {  	s0 =	spop (v2sf)  }
0x33f: {  	p1 =	seq.s32 s0, $0xFFFFFFFF  }
.Ltmp18:
0x340: {  	_ = 	snop;
	(pc) =	sbr.rel @p1 .LBB2_30-.Ltmp18, $1  }
0x341: {  	_ =	sdelay $0x3  }
0x342: {  	p1 =	slt.s32 s6, $0x1  }
.Ltmp19:
0x343: {  	_ = 	snop;
	(pc) =	sbr.rel @p1 .LBB2_28-.Ltmp19, $1  }
0x344: {  	_ =	sdelay $0x3  }
0x345: {  	s1 =	simm.s32 $0x3658;
	p1 =	por $0x0, $0x0  }
0x346: {  	v1 =	vld.msk @!p1 [tilespmem:s1+$0x0], $0x1;
	_ =	sdelay $0x4  }
0x347: {  	(v2sf) =	vpush @!p1 v1, $0x0;
	_ =	sdelay $0xd  }
0x348: {  	p3 =	sne.s32 s6, $0x1  }
.Ltmp20:
0x349: {  	s2 =	spop @!p1 (v2sf);
	(pc) =	sbr.rel @!p3 .LBB2_27-.Ltmp20, $4  }
0x34a: {  	p2 =	seq.s32 @!p1 s0, s2  }
0x34b: {  	s2 =	simm.s32 $0x0;
	p2 =	por !p2, p1  }
0x34c: {  	s4 =	simm.s32 $0xFFFFFFFF;
	s2 =	simm.s32 @p2 $0xFFFFFFFF  }
0x34d: {  	s5 =	simm.s32 $0x1;
	s2 =	smov.u32 @p1 s4  }
.LBB2_26:
0x34e: {  	s4 =	smov.u32 s2;
	p1 =	sne.s32 s2, $0xFFFFFFFF  }
0x34f: {  	s1 =	sadd.s32 $0x1, s1;
	s2 =	smov.u32 s5;
	s5 =	sadd.s32 $0x1, s5  }
0x350: {  	p2 =	sne.s32 s6, s5;
	v1 =	vld.msk @!p1 [tilespmem:s1+$0x0], $0x1;
	_ =	sdelay $0x4  }
0x351: {  	(v2sf) =	vpush @!p1 v1, $0x0;
	_ =	sdelay $0xe  }
.Ltmp21:
0x352: {  	s12 =	spop @!p1 (v2sf);
	(pc) =	sbr.rel @p2 .LBB2_26-.Ltmp21, $4  }
0x353: {  	p3 =	seq.s32 @!p1 s0, s12  }
0x354: {  	p3 =	por !p3, p1  }
0x355: {  	s2 =	simm.s32 @p3 $0xFFFFFFFF  }
0x356: {  	s2 =	smov.u32 @p1 s4  }
.LBB2_27:
0x357: {  	p1 =	sne.s32 s2, $0xFFFFFFFF  }
.Ltmp22:
0x358: {  	_ = 	snop;
	(pc) =	sbr.rel @!p1 .LBB2_28-.Ltmp22, $1  }
0x359: {  	_ =	sdelay $0x3  }
0x35a: {  	s0 =	sshll.u32 s11, $0x4  }
0x35b: {  	s0 =	sand.u32 $0x3FFFFFF0, s0  }
0x35c: {  	v0 =	vld [tilespmem:s0+$0x3678]  }
.Ltmp23:
0x35d: {  	_ = 	snop;
	(pc) =	sbr.rel .LBB2_30-.Ltmp23, $4  }
0x35e: {  	_ = 	snop  }
0x35f: {  	s31 =	sshll.u32 s2, $0x6  }
0x360: {  	s0 =	sshra.s32 s31, $0x2  }
0x361: {  	[tilespmem:s0+$0x3678] =	vst.add.f32.msk $0xffff, v0  }
.LBB2_31:
0x362: {  	s0 =	simm.s32 $0x6;
	p1 =	seq.s32 s6, $0x0  }
0x363: {  	[sflag:s0] =	ssyncpa.u1 $0x1;
	v0 =	vimm.s32 @p1 $0xFFFFFFFF  }
0x364: {  	s0 =	sadd.s32 $0xFFFFFFFF, s6;
	[tilespmem:$0x3878] =	vst @p1 v0  }
0x365: {  	v0 =	vld.msk @!p1 [tilespmem:s0+$0x3658], $0x1;
	_ =	sdelay $0x1  }
0x366: {  	v1 =	vld.msk @!p1 [tilespmem:$0x3658], $0x1;
	_ =	sdelay $0x2  }
0x367: {  	p2 =	seq.s32 @!p1 s0, $0x0;
	v0 =	vbroadcast @!p1 v0, $0x0  }
0x368: {  	vm0 =	vmmov @!p1 $0x1;
	p2 =	por !p2, p1  }
0x369: {  	v1 =	vnsel @!p1 vm0, $0xFFFFFFFF, v1;
	vm0 =	vcmask @!p1 $0x308;
	v0 =	vpsel !p2, $0xFFFFFFFF, v0  }
0x36a: {  	p2 =	sne.s32 @!p1 s8, s7;
	v0 =	vsel @!p1 vm0, v1, v0  }
0x36b: {  	s1 =	simm.s32 @!p1 $0x3678;
	s2 =	simm.s32 @!p1 $0x0;
	p3 =	por !p2, p1;
	[tilespmem:$0x3878] =	vst @!p1 v0  }
0x36c: {  	[spmem:s2] =	stream.linear.scatter @!p1 [tilespmem:s1], [sflag:$0x1], $0x10, $0x38;
	[tilespmem:$0x1F0F8] =	vst v63  }
0x36d: {  	s1 =	sshll.u32 @!p3 s0, $0x6  }
0x36e: {  	s1 =	sshra.s32 @!p3 s1, $0x2  }
0x36f: {  	s2 =	simm.s32 @!p3 $0x10;
	s1 =	sadd.s32 @!p3 $0x3678, s1  }
0x370: {  	[spmem:s2] =	stream.linear.scatter @!p3 [tilespmem:s1], [sflag:$0x1], $0x10, $0x38;
	[tilespmem:$0x1F0F8] =	vst v63  }
0x371: {  	s1 =	simm.s32 @!p3 $0x1  }
0x372: {  	_ =	swait.ge @!p3 [sflag:s1], $0x20  }
0x373: {  	p1 =	por p2, p1;
	[sflag:s1] =	ssyncset.done @!p3 $0x0  }
0x374: {  	[sflag:s1] =	ssyncadd.s32 @!p3 $0xFFFFFFE0;
	s1 =	simm.s32 @!p1 $0x1  }
0x375: {  	_ =	swait.ge @!p1 [sflag:s1], $0x10  }
0x376: {  	s29 =	simm.s32 $0x3878;
	[sflag:s1] =	ssyncset.done @!p1 $0x0  }
0x377: {  	s30 =	simm.s32 $0x200;
	s31 =	simm.s32 $0x1;
	[sflag:s1] =	ssyncadd.s32 @!p1 $0xFFFFFFF0  }
0x378: {  	[spmem:s30] =	stream.linear.scatter [tilespmem:s29], [sflag:$0x1], $0x10, $0x38;
	[tilespmem:$0x1F0F8] =	vst v63  }
0x379: {  	_ =	swait.ge [sflag:s31], $0x10  }
0x37a: {  	[sflag:s31] =	ssyncset.done $0x0  }
0x37b: {  	p1 =	seq.s32 s13, $0x0;
	s9 =	rddreg [dreg:$0x1];
	[sflag:s31] =	ssyncadd.s32 $0xFFFFFFF0  }
0x37c: {  	s2 =	sshll.u32 @p1 s9, $0xE;
	s8 =	rddreg [dreg:$0x2]  }
0x37d: {  	s1 =	sadd.s32 @p1 $0x15C3C, s2;
	s2 =	sshll.u32 @p1 s8, $0x11  }
0x37e: {  	_ =	sfence.stream.spmem;
	s1 =	sor.u32 @p1 s2, s1  }
0x37f: {  	[sflag:s1] =	ssyncadd.remote.s32 @p1 $0x1;
	s1 =	simm.s32 @p1 $0x4  }
0x380: {  	s4 =	simm.s32 @!p1 $0x3C;
	s2 =	sand.u32 $0xFFFFFFFE, s9;
	_ =	swait.ge @p1 [sflag:s1], $0x6  }
0x381: {  	s5 =	simm.s32 @!p1 $0x0;
	s2 =	sadd.s32 @!p1 $0x4, s2;
	[sflag:s1] =	ssyncset.done @p1 $0x0  }
0x382: {  	s7 =	simm.s32 @!p1 $0x20;
	[sflag:s1] =	ssyncadd.s32 @p1 $0xFFFFFFFA;
	s1 =	sshll.u32 @!p1 s2, $0x1A  }
0x383: {  	s2 =	sshll.u32 @!p1 s2, $0xD;
	s1 =	sor.u32 @!p1 s1, s8;
	_ =	swait.eq @!p1 [sflag:s4], $0x1  }
0x384: {  	s2 =	sor.u32 @!p1 $0x1C04, s2;
	s4 =	simm.s32 @!p1 $0x1C03;
	s1 =	sor.u32 @!p1 $0x80004000, s1  }
0x385: {  	[spmem:s7], [sflag:s2] =	dma.general @!p1 [spmem:s5], [sflag:s4], length:$0x4, [dreg:$0x0], stride_count:$0x0, ici_dest:s1, dma_misc:DstOpCode:WRITE  }
0x386: {  	p2 =	slt.s32 s0, $0x2;
	s5 =	simm.s32 @!p1 $0x40;
	s7 =	simm.s32 @!p1 $0x42  }
0x387: {  	[spmem:s7], [sflag:s2] =	dma.general @!p1 [spmem:s5], [sflag:s4], length:$0x2, [dreg:$0x0], stride_count:$0x0, ici_dest:s1, dma_misc:DstOpCode:WRITE  }
.Ltmp24:
0x388: {  	s1 =	simm.s32 @!p1 $0x3;
	(pc) =	sbr.rel @p2 .LBB2_35-.Ltmp24, $4  }
0x389: {  	s2 =	sshll.u32 @!p1 s9, $0xE;
	_ =	swait.ge @!p1 [sflag:s1], $0x6  }
0x38a: {  	s4 =	sshll.u32 @!p1 s8, $0x11;
	s2 =	sadd.s32 @!p1 $0x11C3C, s2;
	[sflag:s1] =	ssyncset.done @!p1 $0x0  }
0x38b: {  	[sflag:s1] =	ssyncadd.s32 @!p1 $0xFFFFFFFA;
	s1 =	sor.u32 @!p1 s4, s2  }
0x38c: {  	s0 =	simm.s32 $0x0;
	[sflag:s1] =	ssyncadd.remote.s32 @!p1 $0xFFFFFFFF  }
0x38d: {  	s0 =	simm.s32 $0x3659  }
0x38e: {  	v0 =	vld.msk [tilespmem:s0+$0x0], $0x1;
	_ =	sdelay $0x4  }
0x38f: {  	(v2sf) =	vpush v0, $0x0;
	_ =	sdelay $0xc  }
0x390: {  	s1 =	sadd.s32 $0xFFFFFFFE, s6  }
0x391: {  	s1 =	sadd.s32 $0xFFFFFFFF, s1  }
0x392: {  	p2 =	sne.s32 s1, $0x0;
	s2 =	spop (v2sf)  }
.Ltmp25:
0x393: {  	p1 =	sgt.u32 s2, $0x40491FF;
	(pc) =	sbr.rel @!p2 .LBB2_34-.Ltmp25, $4  }
0x394: {  	s6 =	simm.s32 $0x0;
	s4 =	sand.u32 @!p1 $0x7FFFFF8, s2  }
0x395: {  	s0 =	simm.s32 $0x3688;
	s2 =	sand.u32 @!p1 $0x7, s2;
	s4 =	sadd.s32 @!p1 s3, s4  }
0x396: {  	[hbm4b:s4+s2] =	stream.linear.scatter @!p1 [tilespmem:s0], [sflag:$0x5], $0x4, $0x38;
	[tilespmem:$0x1F0F8] =	vst v63  }
0x397: {  	s5 =	simm.s32 $0x365A;
	s6 =	simm.s32 @!p1 $0x10;
	s2 =	simm.s32 $0x0  }
.LBB2_33:
0x398: {  	v0 =	vld.msk [tilespmem:s5+$0x0], $0x1;
	s1 =	sadd.s32 $0xFFFFFFFF, s1;
	s2 =	sadd.s32 s2, s6  }
0x399: {  	p1 =	sne.s32 s1, $0x0;
	_ =	sdelay $0x3  }
0x39a: {  	(v2sf) =	vpush v0, $0x0;
	_ =	sdelay $0xe  }
.Ltmp26:
0x39b: {  	s4 =	spop (v2sf);
	(pc) =	sbr.rel @p1 .LBB2_33-.Ltmp26, $4  }
0x39c: {  	s6 =	simm.s32 $0x0;
	p2 =	sgt.u32 s4, $0x40491FF  }
0x39d: {  	s0 =	sadd.s32 $0x10, s0;
	s6 =	simm.s32 @!p2 $0x10;
	s7 =	sand.u32 @!p2 $0x7FFFFF8, s4  }
0x39e: {  	s5 =	sadd.s32 $0x1, s5;
	s4 =	sand.u32 @!p2 $0x7, s4;
	s7 =	sadd.s32 @!p2 s3, s7  }
0x39f: {  	[hbm4b:s7+s4] =	stream.linear.scatter @!p2 [tilespmem:s0], [sflag:$0x5], $0x4, $0x38;
	[tilespmem:$0x1F0F8] =	vst v63  }
.LBB2_34:
0x3a0: {  	s0 =	sadd.s32 s2, s6  }
0x3a1: {  	s0 =	sshrl.u32 s0, $0x2  }
.LBB2_35:
0x3a2: {  	s1 =	simm.s32 $0x5  }
0x3a3: {  	_ =	swait.ge [sflag:s1], s0  }
0x3a4: {  	s31 =	ssub.s32 $0x0, s0;
	[sflag:s1] =	ssyncset.done $0x0  }
0x3a5: {  	[sflag:s1] =	ssyncadd.s32 s31  }
0x3a6: {  	[sflag:s1] =	ssyncpa.u1 $0x1  }
.LBB2_36:
0x3a7: {  	s0 =	sor.u32 s13, s14  }
0x3a8: {  	p1 =	sne.s32 s0, $0x0  }
.Ltmp27:
0x3a9: {  	_ = 	snop;
	(pc) =	sbr.rel @p1 .LBB2_51-.Ltmp27, $3  }
0x3aa: {  	_ =	sdelay $0x1  }
0x3ab: {  	[bflag:$0x0] =	sbarrier.arrive $0xFFFF  }
0x3ac: {  	_ =	sfence  }
0x3ad: {  	s0 =	simm.s32 $0x7  }
0x3ae: {  	s1 =	simm.s32 $0x200;
	s2 =	simm.s32 $0x3658;
	[sflag:s0] =	ssyncpa.u1 $0x0  }
0x3af: {  	[tilespmem:s2], [sflag:$0x7] =	stream.linear.gather [spmem:s1], $0x20, $0x38;
	[tilespmem:$0x1F0F8] =	vst v63  }
0x3b0: {  	s30 =	simm.s32 $0x3678;
	s1 =	simm.s32 $0x0  }
0x3b1: {  	[tilespmem:s30], [sflag:$0x7] =	stream.linear.gather [spmem:s1], $0x200, $0x38;
	[tilespmem:$0x1F0F8] =	vst v63  }
.Ltmp28:
0x3b2: {  	_ = 	snop;
	(pc) =	sbr.rel .LBB2_38-.Ltmp28, $4  }
0x3b3: {  	_ =	swait.ge [sflag:s0], $0x220  }
0x3b4: {  	[sflag:s0] =	ssyncset.done $0x0  }
0x3b5: {  	s31 =	simm.s32 $0x8;
	[sflag:s0] =	ssyncadd.s32 $0xFFFFFDE0  }
0x3b6: {  	s2 =	simm.s32 $0x0;
	[sflag:s31] =	ssyncpa.u1 $0x0  }
.LBB2_43:
0x3b7: {  	p1 =	slt.u32 s0, $0x4049200  }
0x3b8: {  	s4 =	sand.u32 @p1 $0x7FFFFF8, s0  }
0x3b9: {  	s0 =	sand.u32 @p1 $0x7, s0;
	s5 =	simm.s32 @p1 $0x3638;
	s4 =	sadd.s32 @p1 s3, s4  }
0x3ba: {  	[tilespmem:s5], [sflag:$0x8] =	stream.linear.gather @p1 [hbm4b:s4+s0], $0x4, $0x38;
	[tilespmem:$0x1F0F8] =	vst v63  }
0x3bb: {  	s0 =	simm.s32 @p1 $0x8  }
0x3bc: {  	_ =	swait.ge @p1 [sflag:s0], $0x4  }
0x3bd: {  	[sflag:s0] =	ssyncset.done @p1 $0x0  }
0x3be: {  	[sflag:s0] =	ssyncadd.s32 @p1 $0xFFFFFFFC  }
0x3bf: {  	v1 =	vld @p1 [tilespmem:$0x3638];
	_ =	sdelay $0x2  }
0x3c0: {  	s0 =	sshll.u32 @p1 s2, $0x6  }
0x3c1: {  	s5 =	sshll.u32 @!p1 s2, $0x6;
	s4 =	sshrl.u32 @p1 s0, $0x2  }
0x3c2: {  	s5 =	smov.u32 @p1 s0;
	[tilespmem:s4+$0x3678] =	vst.add.f32.msk @p1 $0xffff, v1  }
0x3c3: {  	s0 =	sshrl.u32 s5, $0x2;
	[tilespmem:s1+$0x3658] =	vst.msk $0x1, v0  }
0x3c4: {  	v0 =	vld [tilespmem:s0+$0x3678];
	_ =	sdelay $0x2  }
0x3c5: {  	s31 =	sshll.u32 s1, $0x6  }
0x3c6: {  	s0 =	sshra.s32 s31, $0x2  }
0x3c7: {  	s1 =	sadd.s32 $0x1, s1;
	[tilespmem:s0+$0x3678] =	vst v0  }
.LBB2_45:
0x3c8: {  	s2 =	sadd.s32 $0x1, s2  }
0x3c9: {  	p1 =	sne.s32 s2, $0x20  }
.Ltmp29:
0x3ca: {  	_ = 	snop;
	(pc) =	sbr.rel @!p1 .LBB2_46-.Ltmp29, $1  }
0x3cb: {  	_ =	sdelay $0x3  }
.LBB2_38:
0x3cc: {  	v0 =	vld.msk [tilespmem:s2+$0x3658], $0x1;
	_ =	sdelay $0x4  }
0x3cd: {  	(v2sf) =	vpush v0, $0x0;
	_ =	sdelay $0xe  }
0x3ce: {  	s0 =	spop (v2sf)  }
0x3cf: {  	p1 =	seq.s32 s0, $0xFFFFFFFF  }
.Ltmp30:
0x3d0: {  	_ = 	snop;
	(pc) =	sbr.rel @p1 .LBB2_45-.Ltmp30, $1  }
0x3d1: {  	_ =	sdelay $0x3  }
0x3d2: {  	p1 =	slt.s32 s1, $0x1  }
.Ltmp31:
0x3d3: {  	_ = 	snop;
	(pc) =	sbr.rel @p1 .LBB2_43-.Ltmp31, $1  }
0x3d4: {  	_ =	sdelay $0x3  }
0x3d5: {  	s4 =	simm.s32 $0x3658;
	p1 =	por $0x0, $0x0  }
0x3d6: {  	v1 =	vld.msk @!p1 [tilespmem:s4+$0x0], $0x1;
	_ =	sdelay $0x4  }
0x3d7: {  	(v2sf) =	vpush @!p1 v1, $0x0;
	_ =	sdelay $0xd  }
0x3d8: {  	p3 =	sne.s32 s1, $0x1  }
.Ltmp32:
0x3d9: {  	s5 =	spop @!p1 (v2sf);
	(pc) =	sbr.rel @!p3 .LBB2_42-.Ltmp32, $4  }
0x3da: {  	p2 =	seq.s32 @!p1 s0, s5  }
0x3db: {  	s5 =	simm.s32 $0x0;
	p2 =	por !p2, p1  }
0x3dc: {  	s7 =	simm.s32 $0xFFFFFFFF;
	s5 =	simm.s32 @p2 $0xFFFFFFFF  }
0x3dd: {  	s6 =	simm.s32 $0x1;
	s5 =	smov.u32 @p1 s7  }
.LBB2_41:
0x3de: {  	s7 =	smov.u32 s5;
	p1 =	sne.s32 s5, $0xFFFFFFFF  }
0x3df: {  	s4 =	sadd.s32 $0x1, s4;
	s5 =	smov.u32 s6;
	s6 =	sadd.s32 $0x1, s6  }
0x3e0: {  	p2 =	sne.s32 s1, s6;
	v1 =	vld.msk @!p1 [tilespmem:s4+$0x0], $0x1;
	_ =	sdelay $0x4  }
0x3e1: {  	(v2sf) =	vpush @!p1 v1, $0x0;
	_ =	sdelay $0xe  }
.Ltmp33:
0x3e2: {  	s8 =	spop @!p1 (v2sf);
	(pc) =	sbr.rel @p2 .LBB2_41-.Ltmp33, $4  }
0x3e3: {  	p3 =	seq.s32 @!p1 s0, s8  }
0x3e4: {  	p3 =	por !p3, p1  }
0x3e5: {  	s5 =	simm.s32 @p3 $0xFFFFFFFF  }
0x3e6: {  	s5 =	smov.u32 @p1 s7  }
.LBB2_42:
0x3e7: {  	p1 =	sne.s32 s5, $0xFFFFFFFF  }
.Ltmp34:
0x3e8: {  	_ = 	snop;
	(pc) =	sbr.rel @!p1 .LBB2_43-.Ltmp34, $1  }
0x3e9: {  	_ =	sdelay $0x3  }
0x3ea: {  	s0 =	sshll.u32 s2, $0x4  }
0x3eb: {  	s0 =	sand.u32 $0x3FFFFFF0, s0  }
0x3ec: {  	v0 =	vld [tilespmem:s0+$0x3678]  }
.Ltmp35:
0x3ed: {  	_ = 	snop;
	(pc) =	sbr.rel .LBB2_45-.Ltmp35, $4  }
0x3ee: {  	_ = 	snop  }
0x3ef: {  	s31 =	sshll.u32 s5, $0x6  }
0x3f0: {  	s0 =	sshra.s32 s31, $0x2  }
0x3f1: {  	[tilespmem:s0+$0x3678] =	vst.add.f32.msk $0xffff, v0  }
.LBB2_46:
0x3f2: {  	p1 =	slt.s32 s1, $0x1  }
.Ltmp36:
0x3f3: {  	_ = 	snop;
	(pc) =	sbr.rel @p1 .LBB2_50-.Ltmp36, $3  }
0x3f4: {  	_ =	sdelay $0x1  }
0x3f5: {  	s0 =	simm.s32 $0x8  }
0x3f6: {  	[sflag:s0] =	ssyncpa.u1 $0x1;
	s0 =	simm.s32 $0x0  }
0x3f7: {  	s2 =	simm.s32 $0x3658  }
0x3f8: {  	v0 =	vld.msk [tilespmem:s2+$0x0], $0x1;
	_ =	sdelay $0x4  }
0x3f9: {  	(v2sf) =	vpush v0, $0x0;
	_ =	sdelay $0xe  }
0x3fa: {  	s1 =	sadd.s32 $0xFFFFFFFF, s1;
	s4 =	spop (v2sf)  }
0x3fb: {  	p2 =	sne.s32 s1, $0x0;
	p1 =	sgt.u32 s4, $0x40491FF  }
.Ltmp37:
0x3fc: {  	s5 =	sand.u32 @!p1 $0x7FFFFF8, s4;
	(pc) =	sbr.rel @!p2 .LBB2_49-.Ltmp37, $4  }
0x3fd: {  	s2 =	simm.s32 $0x3678;
	s4 =	sand.u32 @!p1 $0x7, s4;
	s5 =	sadd.s32 @!p1 s3, s5  }
0x3fe: {  	[hbm4b:s5+s4] =	stream.linear.scatter @!p1 [tilespmem:s2], [sflag:$0x7], $0x4, $0x38;
	[tilespmem:$0x1F0F8] =	vst v63  }
0x3ff: {  	s5 =	simm.s32 $0x0  }
0x400: {  	s4 =	simm.s32 $0x3659;
	s5 =	simm.s32 @!p1 $0x10  }
.LBB2_48:
0x401: {  	v0 =	vld.msk [tilespmem:s4+$0x0], $0x1;
	s1 =	sadd.s32 $0xFFFFFFFF, s1;
	s0 =	sadd.s32 s0, s5  }
0x402: {  	p1 =	sne.s32 s1, $0x0;
	_ =	sdelay $0x3  }
0x403: {  	(v2sf) =	vpush v0, $0x0;
	_ =	sdelay $0xe  }
.Ltmp38:
0x404: {  	s6 =	spop (v2sf);
	(pc) =	sbr.rel @p1 .LBB2_48-.Ltmp38, $4  }
0x405: {  	s5 =	simm.s32 $0x0;
	p2 =	sgt.u32 s6, $0x40491FF  }
0x406: {  	s2 =	sadd.s32 $0x10, s2;
	s5 =	simm.s32 @!p2 $0x10;
	s7 =	sand.u32 @!p2 $0x7FFFFF8, s6  }
0x407: {  	s4 =	sadd.s32 $0x1, s4;
	s6 =	sand.u32 @!p2 $0x7, s6;
	s7 =	sadd.s32 @!p2 s3, s7  }
0x408: {  	[hbm4b:s7+s6] =	stream.linear.scatter @!p2 [tilespmem:s2], [sflag:$0x7], $0x4, $0x38;
	[tilespmem:$0x1F0F8] =	vst v63  }
.LBB2_49:
0x409: {  	s0 =	sadd.s32 s0, s5  }
0x40a: {  	s0 =	sshrl.u32 s0, $0x2  }
.LBB2_50:
0x40b: {  	s1 =	simm.s32 $0x7  }
0x40c: {  	_ =	swait.ge [sflag:s1], s0  }
0x40d: {  	s31 =	ssub.s32 $0x0, s0;
	[sflag:s1] =	ssyncset.done $0x0  }
0x40e: {  	[sflag:s1] =	ssyncadd.s32 s31  }
0x40f: {  	[sflag:s1] =	ssyncpa.u1 $0x1  }
.LBB2_51:
0x410: {  	_ =	sfence;
	s0 =	simm.s32 $0x1  }
0x411: {  	[sflag:s0] =	ssyncpa.u1 $0x1  }
0x412: {  	_ =	strace $0x9000004D  }
0x413: {  	[bflag:$0x2] =	sbarrier.arrive $0xFFFF  }
0x414: {  	s0 =	rddreg [dreg:$0x3]  }
0x415: {  	s0 =	sadd.s32 @!p0 $0x100000, s0  }
0x416: {  	[sflag:s0] =	ssyncadd.tile.s32 @!p0 $0x1;
	_ =	shalt  }
.Lfunc_end2:
_tile_overlayer_lowered:
.L_overlay_start_2:
0x417: {  	(tag) =	ssettag $0x2  }
0x418: {  	s0 =	rddreg [dreg:$0x0];
	s2 =	stileid.u32  }
0x419: {  	s1 =	rddreg [dreg:$0x1];
	p0 =	sne.s32 s2, $0x0  }
0x41a: {  	s3 =	rddreg [dreg:$0x2];
	[bflag:$0x3] =	sbarrier.arrive $0xFFFF;
	s2 =	simm.s32 @!p0 $0x1C01  }
0x41b: {  	[timem:s3], [sflag:s2] =	dma.local @!p0 [hbm:s0], s1  }
0x41c: {  	s0 =	simm.s32 @!p0 $0x1  }
0x41d: {  	_ =	swait.ge @!p0 [sflag:s0], s1  }
0x41e: {  	s1 =	ssub.s32 @!p0 $0x0, s1;
	[sflag:s0] =	ssyncset.done @!p0 $0x0  }
0x41f: {  	[sflag:s0] =	ssyncadd.s32 @!p0 s1  }
0x420: {  	[bflag:$0x3] =	sbarrier.arrive $0xFFFF  }
0x421: {  	_ =	shalt  }

// kernel: sparse-core-data-format-call.1.cloned.1.call-start
scs
called_computation.2_lowered:
.L_overlay_start_0:
0x0: {  	s2 =	sld [smem:$0x3FD9]  }
0x1: {  	s3 =	sld [smem:$0x3FFE];
	_ =	sdelay $0x1  }
0x2: {  	s1 =	srdreg.scid  }
0x3: {  	s0 =	sand.u32 $0x1, s1  }
0x4: {  	s18 =	sshll.u32 s0, $0xA;
	s2 =	sadd.s32 s3, s2  }
0x5: {  	s2 =	sadd.s32 s2, s18  }
0x6: {  	[smem:$0x3FC4] =	sst s2  }
0x7: {  	_ = 	snop  }
0x8: {  	(tm) =	ssettm $0x1  }
0x9: {  	s19 =	sld [smem:$0x3FFB];
	_ =	sdelay $0x3  }
0xa: {  	_ =	strace s19  }
0xb: {  	s2 =	sld [smem:$0x3FFC];
	_ =	sdelay $0x3  }
0xc: {  	_ =	strace s2  }
0xd: {  	s2 =	sld [smem:$0x3FFD];
	_ =	sdelay $0x3  }
0xe: {  	_ =	strace s2  }
0xf: {  	_ =	strace $0x8FFFFFFF  }
0x10: {  	s20 =	sld [smem:$0x3FDB];
	_ =	sdelay $0x1  }
0x11: {  	s21 =	simm.s32 $_scs_section_size  }
0x12: {  	s4 =	simm.s32 $_size__tile_overlayer_lowered;
	s5 =	simm.s32 $_tile_overlayer_lowered  }
0x13: {  	s6 =	simm.s32 $0x1BFF;
	s22 =	sshll.u32 s5, $0x1;
	s3 =	sadd.s32 s21, s20  }
0x14: {  	s23 =	simm.s32 $0x0;
	s4 =	sshll.u32 s4, $0x1;
	s5 =	sadd.s32 s22, s3  }
0x15: {  	[timem:s23], [sflag:s6] =	dma.local [hbm:s5], s4  }
0x16: {  	_ =	swait.ge [sflag:s6], s4  }
0x17: {  	s4 =	ssub.s32 $0x0, s4;
	[sflag:s6] =	ssyncset.done $0x0  }
0x18: {  	[sflag:s6] =	ssyncadd.s32 s4;
	_ =	sdelay $0x1  }
0x19: {  	s24 =	simm.s32 $0x1B8B  }
0x1a: {  	_ =	swait.ge [sflag:s24], $0x1  }
0x1b: {  	[sflag:s24] =	ssyncset.done $0x0  }
0x1c: {  	[sflag:s24] =	ssyncadd.s32 $0xFFFFFFFF  }
0x1d: {  	s4 =	sld [smem:$0x0]  }
0x1e: {  	s5 =	sand.u32 $0xFFFFFFFE, s1  }
0x1f: {  	p0 =	sne.s32 s1, s5  }
0x20: {  	s5 =	sshll.u32 @p0 s5, $0xE  }
0x21: {  	s5 =	sadd.s32 @p0 $0x11B8D, s5;
	s6 =	sshll.u32 @p0 s4, $0x11  }
0x22: {  	s5 =	sor.u32 @p0 s6, s5  }
0x23: {  	[sflag:s5] =	ssyncadd.remote.s32 @p0 $0x1;
	_ =	sdelay $0x1  }
0x24: {  	s5 =	simm.s32 @p0 $0x1B8D  }
0x25: {  	_ =	swait.eq @p0 [sflag:s5], $0x1  }
0x26: {  	[sflag:s5] =	ssyncadd.s32 @p0 $0xFFFFFFFF  }
0x27: {  	s6 =	sshll.u32 @!p0 s1, $0xE  }
0x28: {  	s6 =	sor.u32 @!p0 $0x4000, s6;
	s5 =	simm.s32 @!p0 $0x1B8D  }
0x29: {  	s4 =	sshll.u32 @!p0 s4, $0x11;
	s6 =	sadd.s32 @!p0 $0x11B8D, s6;
	_ =	swait.eq @!p0 [sflag:s5], $0x1  }
0x2a: {  	s4 =	sor.u32 @!p0 s4, s6;
	[sflag:s5] =	ssyncadd.s32 @!p0 $0xFFFFFFFF  }
0x2b: {  	s26 =	simm.s32 $0x1B8E;
	s25 =	sld [smem:$0x3FFE];
	[sflag:s4] =	ssyncadd.remote.s32 @!p0 $0x1  }
0x2c: {  	s27 =	simm.s32 $execute0_lowered;
	[smem:$0x3FD2] =	sst s26  }
0x2d: {  	s5 =	sshll.u32 s27, $0x1;
	_ =	strace $0x80000049;
	[dreg:$0x1] =	wrdreg $0xFFFFFFFF  }
0x2e: {  	s28 =	simm.s32 $_size_execute0_lowered;
	s3 =	sadd.s32 s3, s5;
	[dreg:$0x0] =	wrdreg $0x0  }
0x2f: {  	s5 =	sshll.u32 s28, $0x1;
	[dreg:$0x2] =	wrdreg s3  }
0x30: {  	[dreg:$0x3] =	wrdreg s5  }
0x31: {  	[dreg:$0x4] =	wrdreg $0xC0  }
0x32: {  	_ =	task [dreg:s23], $0x5FFFF  }
0x33: {  	[dreg:$0x1] =	wrdreg $0xFFFFFFFF  }
0x34: {  	[dreg:$0x0] =	wrdreg $0x60  }
0x35: {  	[dreg:$0x2] =	wrdreg s25  }
0x36: {  	[dreg:$0x3] =	wrdreg $0x9  }
0x37: {  	_ =	task.clear_ibuf [dreg:s23], $0x4FFFF;
	_ =	strace $0x90000049  }
0x38: {  	s29 =	simm.s32 $0x9;
	_ =	strace $0x8000004B  }
0x39: {  	_ =	swait.ge [sflag:s29], $0x1  }
0x3a: {  	[sflag:s29] =	ssyncadd.s32 $0xFFFFFFFF  }
0x3b: {  	_ =	strace $0x9000004B  }
0x3c: {  	_ =	sfence  }
0x3d: {  	s30 =	sld [smem:$0x0];
	_ =	sdelay $0x2  }
0x3e: {  	s31 =	sshll.u32 s1, $0xD;
	s1 =	sshrl.u32 s1, $0x2  }
0x3f: {  	s4 =	sand.u32 $0x4000, s31;
	s1 =	sadd.s32 s1, s30  }
0x40: {  	s0 =	sor.u32 s4, s0;
	s1 =	sshll.u32 s1, $0x11  }
0x41: {  	s0 =	sor.u32 s1, s0  }
0x42: {  	s0 =	sadd.s32 $0x8F2B, s0  }
0x43: {  	[sflag:s0] =	ssyncadd.remote.s32 $0x1  }
0x44: {  	_ =	sfence.sel $0xFFFF  }
0x45: {  	[dreg:$0x0] =	wrdreg $0xFFFFFFFF;
	(pc) =	sbr.abs _section_cstart, $3  }
0x46: {  	[dreg:$0x1] =	wrdreg $0xFFFFFFFF  }
0x47: {  	_ =	task.clear_ibuf [dreg:s23], $0x2FFFF;
	_ =	strace $0x9FFFFFFF  }
0x48: {  	(tm) =	ssettm $0x7FFFFFFF  }
0x49: {  	_ =	shalt  }
tec
execute0_lowered:
.L_overlay_start_1:
0x0: {  	(tag) =	ssettag $0x1  }
0x1: {  	s0 =	srdreg.scid  }
0x2: {  	s13 =	rddreg [dreg:$0x0];
	s5 =	simm.s32 $0x1;
	_ =	strace $0x8000004A  }
0x3: {  	s12 =	simm.s32 $0x2;
	s22 =	simm.s32 $0x0;
	s1 =	sshll.u32 s0, $0x4  }
0x4: {  	s15 =	simm.s32 $0x80;
	s0 =	stileid.u32;
	s1 =	sand.u32 $0x10, s1  }
0x5: {  	s20 =	simm.s32 $0x0;
	s21 =	simm.s32 $0x0;
	s1 =	sor.u32 s0, s1  }
0x6: {  	s16 =	simm.s32 $0x0;
	s7 =	sadd.s32 $0x4932C00, s13;
	s2 =	sshll.u32 s1, $0x3  }
0x7: {  	s17 =	simm.s32 $0x0;
	s8 =	sadd.s32 $0x493A400, s13;
	s3 =	ssub.s32 $0x870, s2  }
0x8: {  	s19 =	simm.s32 $0x0;
	s9 =	sadd.s32 $0x4941C00, s13;
	s4 =	sand.u32 $0xF8, s3  }
0x9: {  	s10 =	sadd.s32 $0x4949400, s13;
	s11 =	sadd.s32 $0x4950C00, s13;
	p0 =	sne.s32 s4, $0x0  }
.Ltmp0:
0xa: {  	s6 =	sshrl.u32 s3, $0x8;
	s5 =	simm.s32 @!p0 $0x0;
	(pc) =	sbr.rel .LBB1_1-.Ltmp0, $4  }
0xb: {  	s18 =	smov.u32 s2;
	s6 =	sadd.s32 s5, s6;
	s5 =	simm.s32 $0x1  }
0xc: {  	s3 =	sadd.s32 $0x1FA400, s13;
	s6 =	smul.u32 $0xF, s6;
	[sflag:s5] =	ssyncpa.u1 $0x0  }
0xd: {  	s4 =	sadd.s32 $0x492B400, s13;
	p0 =	por $0x0, $0x0;
	[sflag:s12] =	ssyncpa.u1 $0x0  }
0xe: {  	s12 =	sadd.s32 $0x4958400, s13;
	s13 =	sadd.s32 $0x495FC00, s13;
	s14 =	sadd.s32 $0x1, s6  }
.LBB1_7:
0xf: {  	s1 =	sadd.s32 $0x80, s16  }
0x10: {  	s20 =	sadd.s32 $0x10, s17;
	s23 =	smov.u32 s17;
	p2 =	sgt.s32 s1, $0x77F  }
0x11: {  	s23 =	smov.u32 @p2 s20  }
0x12: {  	s25 =	smov.u32 s18;
	s20 =	sadd.s32 $0x100, s18;
	p3 =	sgt.s32 s23, $0xF  }
0x13: {  	s25 =	smov.u32 @p3 s20  }
0x14: {  	s1 =	simm.s32 @p2 $0x0;
	p2 =	sgt.s32 s25, $0x86F  }
0x15: {  	p1 =	slt.u32 s19, $0x2;
	s25 =	smov.u32 @p2 s2;
	p2 =	sne.s32 s19, s14  }
.Ltmp1:
0x16: {  	s24 =	simm.s32 @!p1 $0x2;
	(pc) =	sbr.rel @!p2 .LBB1_8-.Ltmp1, $4  }
0x17: {  	s22 =	smov.u32 s16;
	s21 =	smov.u32 s18;
	_ =	swait.ge @!p1 [sflag:s24], $0x4000  }
0x18: {  	p0 =	por !p0, !p0;
	[sflag:s24] =	ssyncset.done @!p1 $0x0;
	s16 =	smov.u32 s1  }
0x19: {  	s23 =	simm.s32 @p3 $0x0;
	s20 =	smov.u32 s17;
	[sflag:s24] =	ssyncadd.s32 @!p1 $0xFFFFC000  }
0x1a: {  	s17 =	smov.u32 s23;
	s19 =	sadd.s32 $0x1, s19;
	s18 =	smov.u32 s25  }
.LBB1_1:
0x1b: {  	p1 =	sge.u32 s19, s6  }
0x1c: {  	s23 =	sshrl.u32 @!p1 s17, $0x3  }
0x1d: {  	s24 =	sshll.u32 @!p1 s16, $0x3;
	s23 =	smul.u32 @!p1 $0x3C00, s23  }
0x1e: {  	s25 =	sshll.u32 @!p1 s17, $0x7;
	s24 =	sand.u32 @!p1 $0xFFFFFC00, s24  }
0x1f: {  	s23 =	sadd.s32 @!p1 s23, s24;
	s24 =	sand.u32 @!p1 $0x380, s25  }
0x20: {  	s25 =	sand.u32 @!p1 $0x7F, s16;
	s23 =	sor.u32 @!p1 s24, s23  }
0x21: {  	s24 =	sor.u32 @!p1 s25, s23  }
0x22: {  	s25 =	smulhi.u32 @!p1 $0x88888889, s24  }
0x23: {  	s23 =	smulhi.u32 @!p1 $0x88888889, s23  }
0x24: {  	s25 =	sshrl.u32 @!p1 s25, $0xA  }
0x25: {  	s31 =	sadd.s32 $0xFFFFFFFF, s19;
	s23 =	sshrl.u32 @!p1 s23, $0xA;
	s25 =	smul.u32 @!p1 $0x780, s25  }
0x26: {  	s26 =	sxor.u32 @!p1 $0xFFFFFFFF, s19;
	s27 =	smul.u32 @!p1 $0xF00, s18;
	s23 =	sand.u32 @!p1 $0xF, s23  }
0x27: {  	s26 =	sshll.u32 @!p1 s26, $0xE;
	s23 =	smul.u32 @!p1 $0xF0, s23;
	s24 =	ssub.s32 @!p1 s24, s25  }
0x28: {  	s25 =	sand.u32 @!p1 $0x4000, s26;
	s26 =	sadd.s32 @!p1 s3, s27;
	s27 =	sand.u32 @!p1 $0x7, s24  }
0x29: {  	s24 =	sshrl.u32 @!p1 s24, $0x3;
	s23 =	sadd.s32 @!p1 s23, s26;
	s26 =	sshll.u32 @!p1 s27, $0x12  }
0x2a: {  	s23 =	sadd.s32 @!p1 s24, s23;
	s24 =	sor.u32 @!p1 $0x400, s26;
	s26 =	simm.s32 @!p1 $0x3C00  }
0x2b: {  	[tilespmem:s25], [sflag:$0x1] =	stream.strided.gather @!p1 [hbm4b:s23+s24], $0x4000, s26, s24, $0x38;
	[tilespmem:$0x10800] =	vst v63  }
0x2c: {  	p1 =	sge.u32 s31, s6  }
.Ltmp2:
0x2d: {  	_ = 	snop;
	(pc) =	sbr.rel @p1 .LBB1_7-.Ltmp2, $1  }
0x2e: {  	_ =	sdelay $0x3  }
0x2f: {  	s23 =	simm.s32 $0x1;
	s25 =	sand.u32 $0x1, s19  }
0x30: {  	_ =	swait.ge [sflag:s5], $0x4000;
	s23 =	simm.s32 @!p0 $0x0;
	s27 =	smul.u32 $0x11000, s25  }
0x31: {  	[sflag:s5] =	ssyncset.done $0x0;
	s24 =	smul.u32 $0x11000, s23  }
0x32: {  	s23 =	sshll.u32 s23, $0xE;
	[sflag:s5] =	ssyncadd.s32 $0xFFFFC000  }
0x33: {  	s26 =	sor.u32 $0x40, s23;
	s23 =	sshrl.u32 s27, $0x2;
	s24 =	sshrl.u32 s24, $0x2  }
0x34: {  	s27 =	simm.s32 $0x0;
	s25 =	sor.u32 $0x8000, s24;
	s24 =	sor.u32 $0x8000, s23  }
.LBB1_3:
0x35: {  	v0 =	vld [tilespmem:s26+$0x30]  }
0x36: {  	v1 =	vld [tilespmem:s26+$0xFFFFFFD0]  }
0x37: {  	v5 =	vld [tilespmem:s26+$0xFFFFFFE0]  }
0x38: {  	v6 =	vld [tilespmem:s26+$0xFFFFFFF0]  }
0x39: {  	s28 =	sadd.s32 $0x0, s25;
	v2 =	vld [tilespmem:s26+$0x0]  }
0x3a: {  	v3 =	vld [tilespmem:s26+$0x10];
	[tilespmem:s28+$0x770 ss:$0x11] =	vst.msk $0xffff, v0  }
0x3b: {  	v4 =	vld [tilespmem:s26+$0x20];
	[tilespmem:s28+$0x110 ss:$0x11] =	vst.msk $0xffff, v1  }
0x3c: {  	s29 =	sadd.s32 $0x80, s26;
	v0 =	vld [tilespmem:s26+$0xFFFFFFC0];
	[tilespmem:s28+$0x220 ss:$0x11] =	vst.msk $0xffff, v5  }
0x3d: {  	s30 =	simm.s32 $0x4;
	s31 =	simm.s32 $0x8;
	v1 =	vld [tilespmem:s29+$0x30];
	[tilespmem:s28+$0x330 ss:$0x11] =	vst.msk $0xffff, v6  }
.LBB1_4:
0x3e: {  	p1 =	sne.s32 s31, $0x3C;
	v5 =	vld [tilespmem:s29+$0xFFFFFFD0];
	[tilespmem:s28+$0x440 ss:$0x11] =	vst.msk $0xffff, v2  }
0x3f: {  	v6 =	vld [tilespmem:s29+$0xFFFFFFE0];
	[tilespmem:s28+$0x550 ss:$0x11] =	vst.msk $0xffff, v3  }
0x40: {  	s1 =	sshra.s32 s30, $0x2;
	s30 =	smov.u32 s31;
	v7 =	vld [tilespmem:s29+$0xFFFFFFF0];
	[tilespmem:s28+$0x660 ss:$0x11] =	vst.msk $0xffff, v4  }
.Ltmp3:
0x41: {  	v2 =	vld [tilespmem:s29+$0x0];
	[tilespmem:s28+$0x0 ss:$0x11] =	vst.msk $0xffff, v0;
	s28 =	sadd.s32 s1, s25;
	(pc) =	sbr.rel @p1 .LBB1_4-.Ltmp3, $4  }
0x42: {  	v3 =	vld [tilespmem:s29+$0x10];
	[tilespmem:s28+$0x770 ss:$0x11] =	vst.msk $0xffff, v1  }
0x43: {  	[tilespmem:s28+$0x110 ss:$0x11] =	vst.msk $0xffff, v5;
	v4 =	vld [tilespmem:s29+$0x20]  }
0x44: {  	v0 =	vld [tilespmem:s29+$0xFFFFFFC0];
	[tilespmem:s28+$0x220 ss:$0x11] =	vst.msk $0xffff, v6;
	s29 =	sadd.s32 $0x80, s29  }
0x45: {  	s31 =	sadd.s32 $0x4, s31;
	v1 =	vld [tilespmem:s29+$0x30];
	[tilespmem:s28+$0x330 ss:$0x11] =	vst.msk $0xffff, v7  }
0x46: {  	v5 =	vld [tilespmem:s29+$0xFFFFFFD0];
	[tilespmem:s28+$0x440 ss:$0x11] =	vst.msk $0xffff, v2  }
0x47: {  	v58 =	vld [tilespmem:s29+$0xFFFFFFE0];
	[tilespmem:s28+$0x550 ss:$0x11] =	vst.msk $0xffff, v3  }
0x48: {  	s1 =	sshra.s32 s30, $0x2;
	v59 =	vld [tilespmem:s29+$0xFFFFFFF0];
	[tilespmem:s28+$0x660 ss:$0x11] =	vst.msk $0xffff, v4  }
0x49: {  	v60 =	vld [tilespmem:s29+$0x0];
	s1 =	sadd.s32 s1, s25;
	[tilespmem:s28+$0x0 ss:$0x11] =	vst.msk $0xffff, v0  }
0x4a: {  	v61 =	vld [tilespmem:s29+$0x10];
	[tilespmem:s1+$0x770 ss:$0x11] =	vst.msk $0xffff, v1  }
0x4b: {  	v62 =	vld [tilespmem:s29+$0x20];
	s27 =	sadd.s32 $0x1, s27;
	[tilespmem:s1+$0x110 ss:$0x11] =	vst.msk $0xffff, v5  }
0x4c: {  	v63 =	vld [tilespmem:s29+$0xFFFFFFC0];
	p1 =	sne.s32 s27, $0x8;
	[tilespmem:s1+$0x220 ss:$0x11] =	vst.msk $0xffff, v58  }
.Ltmp4:
0x4d: {  	[tilespmem:s1+$0x330 ss:$0x11] =	vst.msk $0xffff, v59;
	(pc) =	sbr.rel @p1 .LBB1_3-.Ltmp4, $4  }
0x4e: {  	[tilespmem:s1+$0x440 ss:$0x11] =	vst.msk $0xffff, v60  }
0x4f: {  	[tilespmem:s1+$0x550 ss:$0x11] =	vst.msk $0xffff, v61  }
0x50: {  	[tilespmem:s1+$0x660 ss:$0x11] =	vst.msk $0xffff, v62  }
0x51: {  	s26 =	sadd.s32 $0x800, s26;
	s25 =	sadd.s32 $0x880, s25;
	[tilespmem:s1+$0x0 ss:$0x11] =	vst.msk $0xffff, v63  }
0x52: {  	s1 =	sshll.u32 s22, $0x7;
	s27 =	sshll.u32 s20, $0x3  }
0x53: {  	s25 =	sand.u32 $0xFFFFFC00, s1;
	s22 =	sand.u32 $0xFFFFFC00, s27  }
0x54: {  	s1 =	sand.u32 $0x380, s1;
	s22 =	sadd.s32 s22, s25  }
0x55: {  	s1 =	sor.u32 s1, s22  }
0x56: {  	s1 =	sshrl.u32 s1, $0x7  }
0x57: {  	s28 =	smulhi.u32 $0x2222223, s1;
	_ =	sdelay $0x1  }
0x58: {  	s22 =	sshrl.u32 s28, $0x4  }
0x59: {  	s22 =	smul.u32 $0x780, s22;
	_ =	sdelay $0x1  }
0x5a: {  	s21 =	smul.u32 $0x7800, s21;
	s1 =	ssub.s32 s1, s22  }
0x5b: {  	s1 =	sshll.u32 s1, $0x4  }
0x5c: {  	s29 =	sshrl.u32 s20, $0x3;
	s31 =	sand.u32 $0x7, s20;
	s30 =	sadd.s32 s21, s1  }
0x5d: {  	s20 =	sshll.u32 s31, $0x12;
	s22 =	sand.u32 $0xF, s29;
	s25 =	sadd.s32 s4, s30  }
0x5e: {  	s20 =	sor.u32 $0x10, s20;
	s26 =	sadd.s32 s21, s7;
	s25 =	sadd.s32 s22, s25  }
0x5f: {  	[hbm4b:s25+s20] =	stream.strided.scatter [tilespmem:s24], [sflag:$0x2], $0x800, s15, s20, $0x8;
	[tilespmem:$0x10800] =	vst v63  }
0x60: {  	s24 =	sadd.s32 s22, s26  }
0x61: {  	s27 =	sadd.s32 $0x8880, s23;
	s28 =	sadd.s32 s21, s8;
	s24 =	sadd.s32 s1, s24  }
0x62: {  	[hbm4b:s24+s20] =	stream.strided.scatter [tilespmem:s27], [sflag:$0x2], $0x800, s15, s20, $0x8;
	[tilespmem:$0x10800] =	vst v63  }
0x63: {  	s24 =	sadd.s32 s22, s28  }
0x64: {  	s29 =	sadd.s32 $0x9100, s23;
	s30 =	sadd.s32 s21, s9;
	s24 =	sadd.s32 s1, s24  }
0x65: {  	[hbm4b:s24+s20] =	stream.strided.scatter [tilespmem:s29], [sflag:$0x2], $0x800, s15, s20, $0x8;
	[tilespmem:$0x10800] =	vst v63  }
0x66: {  	s24 =	sadd.s32 s22, s30  }
0x67: {  	s31 =	sadd.s32 $0x9980, s23;
	s25 =	sadd.s32 s21, s10;
	s24 =	sadd.s32 s1, s24  }
0x68: {  	[hbm4b:s24+s20] =	stream.strided.scatter [tilespmem:s31], [sflag:$0x2], $0x800, s15, s20, $0x8;
	[tilespmem:$0x10800] =	vst v63  }
0x69: {  	s24 =	sadd.s32 s22, s25  }
0x6a: {  	s26 =	sadd.s32 $0xA200, s23;
	s27 =	sadd.s32 s21, s11;
	s24 =	sadd.s32 s1, s24  }
0x6b: {  	[hbm4b:s24+s20] =	stream.strided.scatter [tilespmem:s26], [sflag:$0x2], $0x800, s15, s20, $0x8;
	[tilespmem:$0x10800] =	vst v63  }
0x6c: {  	s24 =	sadd.s32 s22, s27  }
0x6d: {  	s28 =	sadd.s32 $0xAA80, s23;
	s29 =	sadd.s32 s21, s12;
	s24 =	sadd.s32 s1, s24  }
0x6e: {  	[hbm4b:s24+s20] =	stream.strided.scatter [tilespmem:s28], [sflag:$0x2], $0x800, s15, s20, $0x8;
	[tilespmem:$0x10800] =	vst v63  }
.Ltmp5:
0x6f: {  	s21 =	sadd.s32 s21, s13;
	s24 =	sadd.s32 s22, s29;
	(pc) =	sbr.rel .LBB1_7-.Ltmp5, $4  }
0x70: {  	s30 =	sadd.s32 $0xB300, s23;
	s21 =	sadd.s32 s22, s21;
	s24 =	sadd.s32 s1, s24  }
0x71: {  	[hbm4b:s24+s20] =	stream.strided.scatter [tilespmem:s30], [sflag:$0x2], $0x800, s15, s20, $0x8;
	[tilespmem:$0x10800] =	vst v63  }
0x72: {  	s31 =	sadd.s32 $0xBB80, s23;
	s1 =	sadd.s32 s1, s21  }
0x73: {  	[hbm4b:s1+s20] =	stream.strided.scatter [tilespmem:s31], [sflag:$0x2], $0x800, s15, s20, $0x8;
	[tilespmem:$0x10800] =	vst v63  }
.LBB1_8:
0x74: {  	_ =	sfence.sel $0x180000  }
0x75: {  	s1 =	simm.s32 $0x1;
	[bflag:$0x0] =	sbarrier.arrive $0xFFFF  }
0x76: {  	s31 =	simm.s32 $0x2;
	[sflag:s1] =	ssyncpa.u1 $0x1  }
0x77: {  	[sflag:s31] =	ssyncpa.u1 $0x1  }
0x78: {  	_ =	strace $0x9000004A  }
0x79: {  	[bflag:$0x2] =	sbarrier.arrive $0xFFFF  }
0x7a: {  	p0 =	sne.s32 s0, $0x0;
	s0 =	rddreg [dreg:$0x1]  }
0x7b: {  	s0 =	sadd.s32 @!p0 $0x100000, s0  }
0x7c: {  	[sflag:s0] =	ssyncadd.tile.s32 @!p0 $0x1;
	_ =	shalt  }
.Lfunc_end1:
_tile_overlayer_lowered:
.L_overlay_start_2:
0x7d: {  	(tag) =	ssettag $0x2  }
0x7e: {  	s0 =	rddreg [dreg:$0x0];
	s2 =	stileid.u32  }
0x7f: {  	s1 =	rddreg [dreg:$0x1];
	p0 =	sne.s32 s2, $0x0  }
0x80: {  	s3 =	rddreg [dreg:$0x2];
	[bflag:$0x3] =	sbarrier.arrive $0xFFFF;
	s2 =	simm.s32 @!p0 $0x1C01  }
0x81: {  	[timem:s3], [sflag:s2] =	dma.local @!p0 [hbm:s0], s1  }
0x82: {  	s0 =	simm.s32 @!p0 $0x1  }
0x83: {  	_ =	swait.ge @!p0 [sflag:s0], s1  }
0x84: {  	s1 =	ssub.s32 @!p0 $0x0, s1;
	[sflag:s0] =	ssyncset.done @!p0 $0x0  }
0x85: {  	[sflag:s0] =	ssyncadd.s32 @!p0 s1  }
0x86: {  	[bflag:$0x3] =	sbarrier.arrive $0xFFFF  }
0x87: {  	_ =	shalt  }

// kernel: sparse-core-data-format-call.2.cloned.1.call-start
scs
called_computation.3_lowered:
.L_overlay_start_0:
0x0: {  	s1 =	sld [smem:$0x3FD9]  }
0x1: {  	s2 =	sld [smem:$0x3FFE];
	_ =	sdelay $0x1  }
0x2: {  	s3 =	srdreg.scid  }
0x3: {  	s0 =	sand.u32 $0x1, s3  }
0x4: {  	s17 =	sshll.u32 s0, $0xA;
	s1 =	sadd.s32 s2, s1  }
0x5: {  	s1 =	sadd.s32 s1, s17  }
0x6: {  	[smem:$0x3FC4] =	sst s1  }
0x7: {  	_ = 	snop  }
0x8: {  	(tm) =	ssettm $0x1  }
0x9: {  	s18 =	sld [smem:$0x3FFB];
	_ =	sdelay $0x3  }
0xa: {  	_ =	strace s18  }
0xb: {  	s1 =	sld [smem:$0x3FFC];
	_ =	sdelay $0x3  }
0xc: {  	_ =	strace s1  }
0xd: {  	s1 =	sld [smem:$0x3FFD];
	_ =	sdelay $0x3  }
0xe: {  	_ =	strace s1  }
0xf: {  	_ =	strace $0x8FFFFFFF  }
0x10: {  	s19 =	sld [smem:$0x3FDB];
	_ =	sdelay $0x1  }
0x11: {  	s20 =	simm.s32 $_scs_section_size  }
0x12: {  	s4 =	simm.s32 $_size__tile_overlayer_lowered;
	s5 =	simm.s32 $_tile_overlayer_lowered  }
0x13: {  	s23 =	simm.s32 $0x1BFF;
	s22 =	sshll.u32 s5, $0x1;
	s1 =	sadd.s32 s20, s19  }
0x14: {  	s6 =	simm.s32 $0x0;
	s21 =	sshll.u32 s4, $0x1;
	s4 =	sadd.s32 s22, s1  }
0x15: {  	[timem:s6], [sflag:s23] =	dma.local [hbm:s4], s21  }
0x16: {  	_ =	swait.ge [sflag:s23], s21  }
0x17: {  	s2 =	ssub.s32 $0x0, s21;
	[sflag:s23] =	ssyncset.done $0x0  }
0x18: {  	[sflag:s23] =	ssyncadd.s32 s2;
	_ =	sdelay $0x1  }
0x19: {  	s24 =	simm.s32 $0x1B8B  }
0x1a: {  	_ =	swait.ge [sflag:s24], $0x1  }
0x1b: {  	[sflag:s24] =	ssyncset.done $0x0  }
0x1c: {  	s26 =	simm.s32 $0x1B8E;
	s25 =	sld [smem:$0x3FFE];
	[sflag:s24] =	ssyncadd.s32 $0xFFFFFFFF  }
0x1d: {  	s27 =	simm.s32 $execute0_lowered;
	[smem:$0x3FD2] =	sst s26  }
0x1e: {  	s4 =	sshll.u32 s27, $0x1;
	_ =	strace $0x80000046;
	[dreg:$0x1] =	wrdreg $0xFFFFFFFF  }
0x1f: {  	s28 =	simm.s32 $_size_execute0_lowered;
	s1 =	sadd.s32 s1, s4;
	[dreg:$0x0] =	wrdreg $0x0  }
0x20: {  	s4 =	sshll.u32 s28, $0x1;
	[dreg:$0x2] =	wrdreg s1  }
0x21: {  	[dreg:$0x3] =	wrdreg s4  }
0x22: {  	[dreg:$0x4] =	wrdreg $0xC0  }
0x23: {  	_ =	task [dreg:s6], $0x5FFFF  }
0x24: {  	[dreg:$0x1] =	wrdreg $0xFFFFFFFF  }
0x25: {  	[dreg:$0x0] =	wrdreg $0x60  }
0x26: {  	[dreg:$0x2] =	wrdreg s25  }
0x27: {  	[dreg:$0x3] =	wrdreg $0xA  }
0x28: {  	_ =	task.clear_ibuf [dreg:s6], $0x4FFFF;
	_ =	strace $0x90000046  }
0x29: {  	s29 =	simm.s32 $0xA;
	_ =	strace $0x80000048  }
0x2a: {  	_ =	swait.ge [sflag:s29], $0x1  }
0x2b: {  	[sflag:s29] =	ssyncadd.s32 $0xFFFFFFFF  }
0x2c: {  	_ =	strace $0x90000048  }
0x2d: {  	_ =	sfence  }
0x2e: {  	s30 =	sld [smem:$0x0];
	_ =	sdelay $0x2  }
0x2f: {  	s31 =	sshll.u32 s3, $0xD;
	s3 =	sshrl.u32 s3, $0x2  }
0x30: {  	s2 =	sand.u32 $0x4000, s31;
	s1 =	sadd.s32 s3, s30  }
0x31: {  	s0 =	sor.u32 s2, s0;
	s1 =	sshll.u32 s1, $0x11  }
0x32: {  	s0 =	sor.u32 s1, s0  }
0x33: {  	s0 =	sadd.s32 $0x8F2B, s0  }
0x34: {  	[sflag:s0] =	ssyncadd.remote.s32 $0x1  }
0x35: {  	_ =	sfence.sel $0xFFFF  }
0x36: {  	[dreg:$0x0] =	wrdreg $0xFFFFFFFF;
	(pc) =	sbr.abs _section_cstart, $3  }
0x37: {  	[dreg:$0x1] =	wrdreg $0xFFFFFFFF  }
0x38: {  	_ =	task.clear_ibuf [dreg:s6], $0x2FFFF;
	_ =	strace $0x9FFFFFFF  }
0x39: {  	(tm) =	ssettm $0x7FFFFFFF  }
tec
execute0_lowered:
.L_overlay_start_1:
0x0: {  	(tag) =	ssettag $0x1  }
0x1: {  	s0 =	srdreg.scid  }
0x2: {  	s3 =	stileid.u32;
	s2 =	rddreg [dreg:$0x0]  }
0x3: {  	_ =	strace $0x80000047;
	s24 =	simm.s32 $0x2;
	s4 =	sadd.s32 $0x9E3400, s2  }
0x4: {  	s29 =	simm.s32 $0x0;
	s23 =	sadd.s32 $0x9EAC00, s2;
	s25 =	sadd.s32 $0x9F2400, s2  }
0x5: {  	s30 =	simm.s32 $0x0;
	s26 =	sadd.s32 $0x9F9C00, s2;
	s28 =	sadd.s32 $0xA01400, s2  }
0x6: {  	s27 =	simm.s32 $0x0;
	s31 =	sadd.s32 $0xA08C00, s2;
	s12 =	sadd.s32 $0xA10400, s2  }
0x7: {  	s0 =	sshll.u32 s0, $0x4;
	s13 =	sadd.s32 $0xA17C00, s2;
	s14 =	sadd.s32 $0xA1F400, s2  }
0x8: {  	s15 =	sadd.s32 $0xA26C00, s2;
	s16 =	sadd.s32 $0xA2E400, s2;
	[dreg:$0x2] =	wrdreg s4  }
0x9: {  	s17 =	sadd.s32 $0xA35C00, s2;
	s0 =	sand.u32 $0x10, s0;
	[dreg:$0x3] =	wrdreg s23  }
0xa: {  	s19 =	sadd.s32 $0xA3D400, s2;
	[dreg:$0x4] =	wrdreg s25;
	s0 =	sor.u32 s3, s0  }
0xb: {  	s20 =	sadd.s32 $0xA44C00, s2;
	[dreg:$0x5] =	wrdreg s26;
	s1 =	sshll.u32 s0, $0x8  }
0xc: {  	s4 =	simm.s32 $0x1;
	[dreg:$0x6] =	wrdreg s28;
	s1 =	sand.u32 $0x1E00, s1  }
0xd: {  	[dreg:$0x7] =	wrdreg s31;
	s3 =	sshll.u32 s3, $0x4;
	s5 =	smul.u32 $0x2223, s1  }
0xe: {  	s25 =	simm.s32 $0x80;
	[sflag:s4] =	ssyncpa.u1 $0x0;
	s3 =	sand.u32 $0x10, s3  }
0xf: {  	s0 =	sshll.u32 s0, $0x6;
	[sflag:s24] =	ssyncpa.u1 $0x0;
	s7 =	sshrl.u32 s5, $0x18  }
0x10: {  	s24 =	simm.s32 $0x4;
	p0 =	seq.s32 s3, $0x0;
	s8 =	smul.u32 $0x780, s7  }
0x11: {  	s6 =	sand.u32 $0x780, s0;
	s26 =	smov.u32 s3;
	s5 =	simm.s32 $0x44  }
.Ltmp0:
0x12: {  	s5 =	simm.s32 @!p0 $0x43;
	s21 =	ssub.s32 s1, s8;
	(pc) =	sbr.rel .LBB1_1-.Ltmp0, $4  }
0x13: {  	p0 =	seq.s32 s6, $0x780;
	s22 =	sand.u32 $0x3, s7;
	s0 =	sand.u32 $0xFF80, s21  }
0x14: {  	s5 =	simm.s32 @p0 $0x0;
	s1 =	smul.u32 $0xF0, s22;
	s0 =	sshrl.u32 s0, $0x3  }
0x15: {  	p0 =	por $0x0, $0x0;
	s22 =	sadd.s32 $0xA53C00, s2;
	s0 =	sadd.s32 s0, s2  }
0x16: {  	s23 =	sadd.s32 $0x1, s5;
	s21 =	sadd.s32 $0xA4C400, s2;
	s18 =	sadd.s32 s1, s0  }
.LBB1_7:
0x17: {  	s1 =	sadd.s32 $0x20, s26  }
0x18: {  	p2 =	sgt.s32 s1, $0x86F  }
0x19: {  	s1 =	smov.u32 @p2 s3;
	p2 =	sne.s32 s27, s23  }
.Ltmp1:
0x1a: {  	p1 =	slt.u32 s27, $0x2;
	(pc) =	sbr.rel @!p2 .LBB1_8-.Ltmp1, $4  }
0x1b: {  	s0 =	simm.s32 @!p1 $0x2  }
0x1c: {  	s2 =	sadd.s32 $0x1, s27;
	s30 =	smov.u32 s26;
	_ =	swait.ge @!p1 [sflag:s0], $0x2000  }
0x1d: {  	p0 =	por !p0, !p0;
	s29 =	smov.u32 s6;
	[sflag:s0] =	ssyncset.done @!p1 $0x0  }
0x1e: {  	s27 =	smov.u32 s2;
	s26 =	smov.u32 s1;
	[sflag:s0] =	ssyncadd.s32 @!p1 $0xFFFFE000  }
.LBB1_1:
0x1f: {  	p1 =	sge.u32 s27, s5  }
0x20: {  	s0 =	sxor.u32 @!p1 $0xFFFFFFFF, s27;
	s1 =	smul.u32 @!p1 $0x3C0, s26  }
0x21: {  	s31 =	sadd.s32 $0xFFFFFFFF, s27;
	s2 =	simm.s32 @!p1 $0x200;
	s0 =	sshll.u32 @!p1 s0, $0xD  }
0x22: {  	s7 =	simm.s32 @!p1 $0x1E00;
	s0 =	sand.u32 @!p1 $0x2000, s0;
	s1 =	sadd.s32 @!p1 s1, s18  }
0x23: {  	[tilespmem:s0], [sflag:$0x1] =	stream.strided.gather @!p1 [hbm4b:s1+s2], $0x2000, s7, s2, $0x38;
	[tilespmem:$0x8000] =	vst v63  }
0x24: {  	p1 =	sge.u32 s31, s5  }
.Ltmp2:
0x25: {  	_ = 	snop;
	(pc) =	sbr.rel @p1 .LBB1_7-.Ltmp2, $1  }
0x26: {  	_ =	sdelay $0x3  }
0x27: {  	s0 =	simm.s32 $0x1  }
0x28: {  	s0 =	simm.s32 @!p0 $0x0  }
0x29: {  	s1 =	sshll.u32 s27, $0xD;
	s0 =	sshll.u32 s0, $0xF  }
0x2a: {  	s28 =	sand.u32 $0x2000, s1;
	s1 =	sshrl.u32 s0, $0x2  }
0x2b: {  	v0 =	vmov s1;
	_ =	sdelay $0x1  }
0x2c: {  	_ =	swait.ge [sflag:s4], $0x2000  }
0x2d: {  	s10 =	simm.s32 $0x4000;
	s7 =	simm.s32 $0x0;
	[sflag:s4] =	ssyncset.done $0x0  }
0x2e: {  	[sflag:s4] =	ssyncadd.s32 $0xFFFFE000;
	s31 =	sor.u32 $0x4000, s28;
	s0 =	simm.s32 $0x0  }
.LBB1_3:
0x2f: {  	_ =	sdelay $0x3  }
0x30: {  	v1 =	vld.idx.msk [tilespmem:v0+s0+$0x70 ss:$0x1], $0xffff  }
0x31: {  	v2 =	vld.idx.msk [tilespmem:v0+s0+$0x10 ss:$0x1], $0xffff  }
0x32: {  	v7 =	vld.idx.msk [tilespmem:v0+s0+$0x20 ss:$0x1], $0xffff  }
0x33: {  	v4 =	vld.idx.msk [tilespmem:v0+s0+$0x30 ss:$0x1], $0xffff  }
0x34: {  	v3 =	vld.idx.msk [tilespmem:v0+s0+$0x40 ss:$0x1], $0xffff  }
0x35: {  	s9 =	sadd.s32 s1, s10;
	v5 =	vld.idx.msk [tilespmem:v0+s0+$0x50 ss:$0x1], $0xffff  }
0x36: {  	v6 =	vld.idx.msk [tilespmem:v0+s0+$0x60 ss:$0x1], $0xffff;
	[tilespmem:s9+$0x1C0 ss:$0x4] =	vst.msk $0xffff, v1  }
0x37: {  	s8 =	sadd.s32 $0x80, s0;
	v1 =	vld.idx.msk [tilespmem:v0+s0+$0x0 ss:$0x1], $0xffff;
	[tilespmem:s9+$0x40 ss:$0x4] =	vst.msk $0xffff, v2  }
0x38: {  	s11 =	simm.s32 $0x2;
	s2 =	smov.u32 s10;
	v2 =	vld.idx.msk [tilespmem:v0+s8+$0x70 ss:$0x1], $0xffff;
	[tilespmem:s9+$0x80 ss:$0x4] =	vst.msk $0xffff, v7  }
.LBB1_4:
0x39: {  	p1 =	sne.s32 s11, $0x1;
	v7 =	vld.idx.msk [tilespmem:v0+s8+$0x10 ss:$0x1], $0xffff;
	[tilespmem:s9+$0xC0 ss:$0x4] =	vst.msk $0xffff, v4  }
0x3a: {  	v8 =	vld.idx.msk [tilespmem:v0+s8+$0x20 ss:$0x1], $0xffff;
	[tilespmem:s9+$0x100 ss:$0x4] =	vst.msk $0xffff, v3  }
0x3b: {  	v4 =	vld.idx.msk [tilespmem:v0+s8+$0x30 ss:$0x1], $0xffff;
	[tilespmem:s9+$0x140 ss:$0x4] =	vst.msk $0xffff, v5  }
.Ltmp3:
0x3c: {  	s2 =	sadd.s32 $0x1, s2;
	v3 =	vld.idx.msk [tilespmem:v0+s8+$0x40 ss:$0x1], $0xffff;
	[tilespmem:s9+$0x180 ss:$0x4] =	vst.msk $0xffff, v6;
	(pc) =	sbr.rel @p1 .LBB1_4-.Ltmp3, $4  }
0x3d: {  	v5 =	vld.idx.msk [tilespmem:v0+s8+$0x50 ss:$0x1], $0xffff;
	[tilespmem:s9+$0x0 ss:$0x4] =	vst.msk $0xffff, v1;
	s9 =	sadd.s32 s1, s2  }
0x3e: {  	v6 =	vld.idx.msk [tilespmem:v0+s8+$0x60 ss:$0x1], $0xffff;
	[tilespmem:s9+$0x1C0 ss:$0x4] =	vst.msk $0xffff, v2  }
0x3f: {  	v1 =	vld.idx.msk [tilespmem:v0+s8+$0x0 ss:$0x1], $0xffff;
	[tilespmem:s9+$0x40 ss:$0x4] =	vst.msk $0xffff, v7;
	s8 =	sadd.s32 $0x80, s8  }
0x40: {  	s11 =	sadd.s32 $0xFFFFFFFF, s11;
	v2 =	vld.idx.msk [tilespmem:v0+s8+$0x70 ss:$0x1], $0xffff;
	[tilespmem:s9+$0x80 ss:$0x4] =	vst.msk $0xffff, v8  }
0x41: {  	_ =	sdelay $0x2  }
0x42: {  	[tilespmem:s9+$0xC0 ss:$0x4] =	vst.msk $0xffff, v4  }
0x43: {  	v60 =	vld.idx.msk [tilespmem:v0+s8+$0x10 ss:$0x1], $0xffff;
	[tilespmem:s9+$0x100 ss:$0x4] =	vst.msk $0xffff, v3  }
0x44: {  	v3 =	vld.idx.msk [tilespmem:v0+s8+$0x20 ss:$0x1], $0xffff;
	[tilespmem:s9+$0x140 ss:$0x4] =	vst.msk $0xffff, v5  }
0x45: {  	v61 =	vld.idx.msk [tilespmem:v0+s8+$0x30 ss:$0x1], $0xffff;
	s2 =	sadd.s32 $0x1, s2;
	[tilespmem:s9+$0x180 ss:$0x4] =	vst.msk $0xffff, v6  }
0x46: {  	v62 =	vld.idx.msk [tilespmem:v0+s8+$0x40 ss:$0x1], $0xffff;
	s2 =	sadd.s32 s1, s2;
	[tilespmem:s9+$0x0 ss:$0x4] =	vst.msk $0xffff, v1  }
0x47: {  	v63 =	vld.idx.msk [tilespmem:v0+s8+$0x0 ss:$0x1], $0xffff;
	[tilespmem:s2+$0x1C0 ss:$0x4] =	vst.msk $0xffff, v2  }
0x48: {  	s7 =	sadd.s32 $0x1, s7;
	v1 =	vld.idx.msk [tilespmem:v0+s8+$0x50 ss:$0x1], $0xffff;
	[tilespmem:s2+$0x40 ss:$0x4] =	vst.msk $0xffff, v60  }
0x49: {  	p1 =	sne.s32 s7, $0x10;
	v2 =	vld.idx.msk [tilespmem:v0+s8+$0x60 ss:$0x1], $0xffff;
	[tilespmem:s2+$0x80 ss:$0x4] =	vst.msk $0xffff, v3  }
.Ltmp4:
0x4a: {  	[tilespmem:s2+$0xC0 ss:$0x4] =	vst.msk $0xffff, v61;
	(pc) =	sbr.rel @p1 .LBB1_3-.Ltmp4, $4  }
0x4b: {  	[tilespmem:s2+$0x100 ss:$0x4] =	vst.msk $0xffff, v62  }
0x4c: {  	[tilespmem:s2+$0x0 ss:$0x4] =	vst.msk $0xffff, v63  }
0x4d: {  	[tilespmem:s2+$0x140 ss:$0x4] =	vst.msk $0xffff, v1  }
0x4e: {  	s10 =	sadd.s32 $0x200, s10;
	s0 =	sadd.s32 $0x200, s0;
	[tilespmem:s2+$0x180 ss:$0x4] =	vst.msk $0xffff, v2  }
0x4f: {  	s0 =	smulhi.u32 $0x88888889, s29;
	_ =	sdelay $0x1  }
0x50: {  	s0 =	sshrl.u32 s0, $0xA  }
0x51: {  	s0 =	smul.u32 $0x780, s0  }
0x52: {  	s1 =	smul.u32 $0x7800, s30  }
0x53: {  	s2 =	rddreg [dreg:$0x2];
	s0 =	ssub.s32 s29, s0  }
0x54: {  	s2 =	sadd.s32 s2, s1;
	s0 =	sshll.u32 s0, $0x4  }
0x55: {  	s10 =	rddreg [dreg:$0x3];
	s2 =	sadd.s32 s0, s2  }
0x56: {  	[hbm4b:s2+s24] =	stream.strided.scatter [tilespmem:s31], [sflag:$0x2], $0x200, s25, s24, $0x38;
	[tilespmem:$0x8000] =	vst v63  }
0x57: {  	s2 =	sadd.s32 s1, s10  }
0x58: {  	s7 =	sadd.s32 $0x4200, s28;
	s11 =	rddreg [dreg:$0x4];
	s2 =	sadd.s32 s0, s2  }
0x59: {  	[hbm4b:s2+s24] =	stream.strided.scatter [tilespmem:s7], [sflag:$0x2], $0x200, s25, s24, $0x38;
	[tilespmem:$0x8000] =	vst v63  }
0x5a: {  	s2 =	sadd.s32 s1, s11  }
0x5b: {  	s30 =	rddreg [dreg:$0x5];
	s29 =	sadd.s32 $0x4400, s28;
	s2 =	sadd.s32 s0, s2  }
0x5c: {  	[hbm4b:s2+s24] =	stream.strided.scatter [tilespmem:s29], [sflag:$0x2], $0x200, s25, s24, $0x38;
	[tilespmem:$0x8000] =	vst v63  }
0x5d: {  	s2 =	sadd.s32 s1, s30  }
0x5e: {  	s31 =	sadd.s32 $0x4600, s28;
	s7 =	rddreg [dreg:$0x6];
	s2 =	sadd.s32 s0, s2  }
0x5f: {  	[hbm4b:s2+s24] =	stream.strided.scatter [tilespmem:s31], [sflag:$0x2], $0x200, s25, s24, $0x38;
	[tilespmem:$0x8000] =	vst v63  }
0x60: {  	s2 =	sadd.s32 s1, s7  }
0x61: {  	s8 =	sadd.s32 $0x4800, s28;
	s9 =	rddreg [dreg:$0x7];
	s2 =	sadd.s32 s0, s2  }
0x62: {  	[hbm4b:s2+s24] =	stream.strided.scatter [tilespmem:s8], [sflag:$0x2], $0x200, s25, s24, $0x38;
	[tilespmem:$0x8000] =	vst v63  }
0x63: {  	s2 =	sadd.s32 s1, s9  }
0x64: {  	s10 =	sadd.s32 $0x4A00, s28;
	s11 =	sadd.s32 s1, s12;
	s2 =	sadd.s32 s0, s2  }
0x65: {  	[hbm4b:s2+s24] =	stream.strided.scatter [tilespmem:s10], [sflag:$0x2], $0x200, s25, s24, $0x38;
	[tilespmem:$0x8000] =	vst v63  }
0x66: {  	s29 =	sadd.s32 $0x4C00, s28;
	s30 =	sadd.s32 s1, s13;
	s2 =	sadd.s32 s0, s11  }
0x67: {  	[hbm4b:s2+s24] =	stream.strided.scatter [tilespmem:s29], [sflag:$0x2], $0x200, s25, s24, $0x38;
	[tilespmem:$0x8000] =	vst v63  }
0x68: {  	s31 =	sadd.s32 $0x4E00, s28;
	s7 =	sadd.s32 s1, s14;
	s2 =	sadd.s32 s0, s30  }
0x69: {  	[hbm4b:s2+s24] =	stream.strided.scatter [tilespmem:s31], [sflag:$0x2], $0x200, s25, s24, $0x38;
	[tilespmem:$0x8000] =	vst v63  }
0x6a: {  	s8 =	sadd.s32 $0x5000, s28;
	s9 =	sadd.s32 s1, s15;
	s2 =	sadd.s32 s0, s7  }
0x6b: {  	[hbm4b:s2+s24] =	stream.strided.scatter [tilespmem:s8], [sflag:$0x2], $0x200, s25, s24, $0x38;
	[tilespmem:$0x8000] =	vst v63  }
0x6c: {  	s10 =	sadd.s32 $0x5200, s28;
	s11 =	sadd.s32 s1, s16;
	s2 =	sadd.s32 s0, s9  }
0x6d: {  	[hbm4b:s2+s24] =	stream.strided.scatter [tilespmem:s10], [sflag:$0x2], $0x200, s25, s24, $0x38;
	[tilespmem:$0x8000] =	vst v63  }
0x6e: {  	s29 =	sadd.s32 $0x5400, s28;
	s30 =	sadd.s32 s1, s17;
	s2 =	sadd.s32 s0, s11  }
0x6f: {  	[hbm4b:s2+s24] =	stream.strided.scatter [tilespmem:s29], [sflag:$0x2], $0x200, s25, s24, $0x38;
	[tilespmem:$0x8000] =	vst v63  }
0x70: {  	s31 =	sadd.s32 $0x5600, s28;
	s8 =	sadd.s32 s1, s19;
	s2 =	sadd.s32 s0, s30  }
0x71: {  	[hbm4b:s2+s24] =	stream.strided.scatter [tilespmem:s31], [sflag:$0x2], $0x200, s25, s24, $0x38;
	[tilespmem:$0x8000] =	vst v63  }
0x72: {  	s9 =	sadd.s32 $0x5800, s28;
	s10 =	sadd.s32 s1, s20;
	s2 =	sadd.s32 s0, s8  }
0x73: {  	[hbm4b:s2+s24] =	stream.strided.scatter [tilespmem:s9], [sflag:$0x2], $0x200, s25, s24, $0x38;
	[tilespmem:$0x8000] =	vst v63  }
0x74: {  	s11 =	sadd.s32 $0x5A00, s28;
	s2 =	sadd.s32 s0, s10  }
0x75: {  	[hbm4b:s2+s24] =	stream.strided.scatter [tilespmem:s11], [sflag:$0x2], $0x200, s25, s24, $0x38;
	[tilespmem:$0x8000] =	vst v63  }
.Ltmp5:
0x76: {  	s29 =	sadd.s32 s1, s21;
	(pc) =	sbr.rel .LBB1_7-.Ltmp5, $4  }
0x77: {  	s30 =	sadd.s32 $0x5C00, s28;
	s1 =	sadd.s32 s1, s22;
	s2 =	sadd.s32 s0, s29  }
0x78: {  	[hbm4b:s2+s24] =	stream.strided.scatter [tilespmem:s30], [sflag:$0x2], $0x200, s25, s24, $0x38;
	[tilespmem:$0x8000] =	vst v63  }
0x79: {  	s31 =	sadd.s32 $0x5E00, s28;
	s0 =	sadd.s32 s0, s1  }
0x7a: {  	[hbm4b:s0+s24] =	stream.strided.scatter [tilespmem:s31], [sflag:$0x2], $0x200, s25, s24, $0x38;
	[tilespmem:$0x8000] =	vst v63  }
.LBB1_8:
0x7b: {  	_ =	sfence.sel $0x180000  }
0x7c: {  	s0 =	simm.s32 $0x1;
	[bflag:$0x0] =	sbarrier.arrive $0xFFFF  }
0x7d: {  	s30 =	simm.s32 $0x2;
	[sflag:s0] =	ssyncpa.u1 $0x1  }
0x7e: {  	[sflag:s30] =	ssyncpa.u1 $0x1  }
0x7f: {  	_ =	strace $0x90000047  }
0x80: {  	s31 =	stileid.u32;
	[bflag:$0x2] =	sbarrier.arrive $0xFFFF  }
0x81: {  	p0 =	sne.s32 s31, $0x0;
	s0 =	rddreg [dreg:$0x1]  }
0x82: {  	s0 =	sadd.s32 @!p0 $0x100000, s0  }
0x83: {  	[sflag:s0] =	ssyncadd.tile.s32 @!p0 $0x1;
	_ =	shalt  }
.Lfunc_end1:
_tile_overlayer_lowered:
.L_overlay_start_2:
0x84: {  	(tag) =	ssettag $0x2  }
0x85: {  	s0 =	rddreg [dreg:$0x0];
	s2 =	stileid.u32  }
0x86: {  	s1 =	rddreg [dreg:$0x1];
	p0 =	sne.s32 s2, $0x0  }
0x87: {  	s3 =	rddreg [dreg:$0x2];
	[bflag:$0x3] =	sbarrier.arrive $0xFFFF;
	s2 =	simm.s32 @!p0 $0x1C01  }
0x88: {  	[timem:s3], [sflag:s2] =	dma.local @!p0 [hbm:s0], s1  }
0x89: {  	s0 =	simm.s32 @!p0 $0x1  }
0x8a: {  	_ =	swait.ge @!p0 [sflag:s0], s1  }
0x8b: {  	s1 =	ssub.s32 @!p0 $0x0, s1;
	[sflag:s0] =	ssyncset.done @!p0 $0x0  }
0x8c: {  	[sflag:s0] =	ssyncadd.s32 @!p0 s1  }
0x8d: {  	[bflag:$0x3] =	sbarrier.arrive $0xFFFF  }
0x8e: {  	_ =	shalt  }

// kernel: sparse-core-data-format-call.cloned.1.call-start
scs
called_computation.1_lowered:
.L_overlay_start_0:
0x0: {  	s1 =	sld [smem:$0x3FD9]  }
0x1: {  	s2 =	sld [smem:$0x3FFE];
	_ =	sdelay $0x1  }
0x2: {  	s3 =	srdreg.scid  }
0x3: {  	s0 =	sand.u32 $0x1, s3  }
0x4: {  	s17 =	sshll.u32 s0, $0xA;
	s1 =	sadd.s32 s2, s1  }
0x5: {  	s1 =	sadd.s32 s1, s17  }
0x6: {  	[smem:$0x3FC4] =	sst s1  }
0x7: {  	_ = 	snop  }
0x8: {  	(tm) =	ssettm $0x1  }
0x9: {  	s18 =	sld [smem:$0x3FFB];
	_ =	sdelay $0x3  }
0xa: {  	_ =	strace s18  }
0xb: {  	s1 =	sld [smem:$0x3FFC];
	_ =	sdelay $0x3  }
0xc: {  	_ =	strace s1  }
0xd: {  	s1 =	sld [smem:$0x3FFD];
	_ =	sdelay $0x3  }
0xe: {  	_ =	strace s1  }
0xf: {  	_ =	strace $0x8FFFFFFF  }
0x10: {  	s19 =	sld [smem:$0x3FDB];
	_ =	sdelay $0x1  }
0x11: {  	s20 =	simm.s32 $_scs_section_size  }
0x12: {  	s4 =	simm.s32 $_size__tile_overlayer_lowered;
	s5 =	simm.s32 $_tile_overlayer_lowered  }
0x13: {  	s23 =	simm.s32 $0x1BFF;
	s22 =	sshll.u32 s5, $0x1;
	s1 =	sadd.s32 s20, s19  }
0x14: {  	s6 =	simm.s32 $0x0;
	s21 =	sshll.u32 s4, $0x1;
	s4 =	sadd.s32 s22, s1  }
0x15: {  	[timem:s6], [sflag:s23] =	dma.local [hbm:s4], s21  }
0x16: {  	_ =	swait.ge [sflag:s23], s21  }
0x17: {  	s2 =	ssub.s32 $0x0, s21;
	[sflag:s23] =	ssyncset.done $0x0  }
0x18: {  	[sflag:s23] =	ssyncadd.s32 s2;
	_ =	sdelay $0x1  }
0x19: {  	s24 =	simm.s32 $0x1B8B  }
0x1a: {  	_ =	swait.ge [sflag:s24], $0x1  }
0x1b: {  	[sflag:s24] =	ssyncset.done $0x0  }
0x1c: {  	s26 =	simm.s32 $0x1B8E;
	s25 =	sld [smem:$0x3FFE];
	[sflag:s24] =	ssyncadd.s32 $0xFFFFFFFF  }
0x1d: {  	s27 =	simm.s32 $execute0_lowered;
	[smem:$0x3FD2] =	sst s26  }
0x1e: {  	s4 =	sshll.u32 s27, $0x1;
	_ =	strace $0x8000004F;
	[dreg:$0x1] =	wrdreg $0xFFFFFFFF  }
0x1f: {  	s28 =	simm.s32 $_size_execute0_lowered;
	s1 =	sadd.s32 s1, s4;
	[dreg:$0x0] =	wrdreg $0x0  }
0x20: {  	s4 =	sshll.u32 s28, $0x1;
	[dreg:$0x2] =	wrdreg s1  }
0x21: {  	[dreg:$0x3] =	wrdreg s4  }
0x22: {  	[dreg:$0x4] =	wrdreg $0xC0  }
0x23: {  	_ =	task [dreg:s6], $0x5FFFF  }
0x24: {  	[dreg:$0x1] =	wrdreg $0xFFFFFFFF  }
0x25: {  	[dreg:$0x0] =	wrdreg $0x60  }
0x26: {  	[dreg:$0x2] =	wrdreg s25  }
0x27: {  	[dreg:$0x3] =	wrdreg $0x9  }
0x28: {  	_ =	task.clear_ibuf [dreg:s6], $0x4FFFF;
	_ =	strace $0x9000004F  }
0x29: {  	s29 =	simm.s32 $0x9;
	_ =	strace $0x80000051  }
0x2a: {  	_ =	swait.ge [sflag:s29], $0x1  }
0x2b: {  	[sflag:s29] =	ssyncadd.s32 $0xFFFFFFFF  }
0x2c: {  	_ =	strace $0x90000051  }
0x2d: {  	_ =	sfence  }
0x2e: {  	s30 =	sld [smem:$0x0];
	_ =	sdelay $0x2  }
0x2f: {  	s31 =	sshll.u32 s3, $0xD;
	s3 =	sshrl.u32 s3, $0x2  }
0x30: {  	s2 =	sand.u32 $0x4000, s31;
	s1 =	sadd.s32 s3, s30  }
0x31: {  	s0 =	sor.u32 s2, s0;
	s1 =	sshll.u32 s1, $0x11  }
0x32: {  	s0 =	sor.u32 s1, s0  }
0x33: {  	s0 =	sadd.s32 $0x8F2B, s0  }
0x34: {  	[sflag:s0] =	ssyncadd.remote.s32 $0x1  }
0x35: {  	_ =	sfence.sel $0xFFFF  }
0x36: {  	[dreg:$0x0] =	wrdreg $0xFFFFFFFF;
	(pc) =	sbr.abs _section_cstart, $3  }
0x37: {  	[dreg:$0x1] =	wrdreg $0xFFFFFFFF  }
0x38: {  	_ =	task.clear_ibuf [dreg:s6], $0x2FFFF;
	_ =	strace $0x9FFFFFFF  }
0x39: {  	(tm) =	ssettm $0x7FFFFFFF  }
tec
execute0_lowered:
.L_overlay_start_1:
0x0: {  	(tag) =	ssettag $0x1  }
0x1: {  	s0 =	srdreg.scid;
	s2 =	rddreg [dreg:$0x0]  }
0x2: {  	s1 =	stileid.u32;
	s5 =	simm.s32 $0x1;
	s0 =	sshll.u32 s0, $0x4  }
0x3: {  	s7 =	simm.s32 $0x2;
	s12 =	simm.s32 $0x0;
	s3 =	sand.u32 $0x10, s0  }
.Ltmp0:
0x4: {  	s8 =	simm.s32 $0x1012600;
	s3 =	sor.u32 s1, s3;
	(pc) =	sbr.rel .LBB1_1-.Ltmp0, $4  }
0x5: {  	s10 =	simm.s32 $0x0;
	s11 =	simm.s32 $0x0;
	s3 =	sshll.u32 s3, $0x7  }
0x6: {  	s0 =	rddreg [dreg:$0x1];
	_ =	strace $0x80000050;
	s6 =	ssub.s32 $0x404900, s3  }
0x7: {  	s4 =	sadd.s32 $0xDD7C00, s2;
	[sflag:s5] =	ssyncpa.u1 $0x0;
	s6 =	sshrl.u32 s6, $0xC  }
0x8: {  	[sflag:s7] =	ssyncpa.u1 $0x0;
	s9 =	smov.u32 s3;
	s7 =	sadd.s32 $0x2, s6  }
.LBB1_5:
0x9: {  	[tilespmem:s18+$0x0 ss:$0x81] =	vst.msk $0xffff, v1  }
.LBB1_6:
0xa: {  	s15 =	sshll.u32 s10, $0x2  }
0xb: {  	s16 =	sand.u32 $0x7F, s10;
	s15 =	sand.u32 $0xFFFFFE00, s15  }
0xc: {  	s16 =	sor.u32 s16, s15  }
0xd: {  	p0 =	sgt.s32 s10, $0x404900;
	s18 =	smov.u32 s10;
	s17 =	smulhi.u32 $0x7F6DA811, s16  }
0xe: {  	s18 =	simm.s32 @!p0 $0x404900  }
0xf: {  	s13 =	sadd.s32 s13, s18;
	s15 =	smulhi.u32 $0x7F6DA811, s15;
	s17 =	sshrl.u32 s17, $0x15  }
0x10: {  	s13 =	sadd.s32 $0xFFBFB700, s13;
	s17 =	smul.u32 $0x404980, s17  }
0x11: {  	s15 =	sshrl.u32 s15, $0x15;
	s29 =	sshll.u32 s13, $0x4;
	p0 =	sgt.s32 s13, $0x7F  }
0x12: {  	s15 =	sand.u32 $0x3, s15;
	s30 =	ssub.s32 $0x800, s29;
	s16 =	ssub.s32 s16, s17  }
0x13: {  	s15 =	smul.u32 $0x80930, s15;
	s31 =	sshrl.u32 s16, $0x3;
	s16 =	sand.u32 $0x7, s16  }
0x14: {  	s13 =	sshrl.u32 s30, $0x2;
	s17 =	sadd.s32 s2, s31;
	s16 =	sshll.u32 s16, $0x12  }
0x15: {  	s13 =	simm.s32 @p0 $0x0;
	s15 =	sadd.s32 s15, s17;
	s16 =	sor.u32 $0x200, s16  }
0x16: {  	[hbm4b:s15+s16] =	stream.strided.scatter [tilespmem:s14], [sflag:$0x2], s13, s8, s16, $0x20;
	[tilespmem:$0x4040] =	vst v63  }
.LBB1_7:
0x17: {  	p0 =	slt.u32 s11, $0x2  }
0x18: {  	p1 =	sgt.s32 @!p0 s12, $0x404900  }
0x19: {  	s13 =	smov.u32 s12;
	s14 =	sshra.s32 @!p0 s12, $0x1F;
	p1 =	por !p1, p0  }
0x1a: {  	s12 =	sand.u32 @!p0 s14, s12;
	s13 =	simm.s32 @p1 $0x404900  }
0x1b: {  	s12 =	ssub.s32 @!p0 s13, s12  }
0x1c: {  	s12 =	sadd.s32 @!p0 $0xFFBFB700, s12  }
0x1d: {  	s13 =	sshll.u32 @!p0 s12, $0x4  }
0x1e: {  	p1 =	sgt.s32 @!p0 s12, $0x7F;
	s12 =	ssub.s32 @!p0 $0x800, s13  }
0x1f: {  	s14 =	sadd.s32 $0x1000, s9;
	p1 =	por !p1, p0;
	s12 =	sshrl.u32 @!p0 s12, $0x2  }
0x20: {  	s12 =	simm.s32 @!p1 $0x0;
	p1 =	sgt.s32 s14, $0x40491F  }
0x21: {  	s14 =	smov.u32 @p1 s3;
	p1 =	sne.s32 s11, s7  }
.Ltmp1:
0x22: {  	_ = 	snop;
	(pc) =	sbr.rel @!p1 .LBB1_8-.Ltmp1, $4  }
0x23: {  	s13 =	simm.s32 @!p0 $0x2  }
0x24: {  	_ =	swait.ge @!p0 [sflag:s13], s12;
	s15 =	ssub.s32 @!p0 $0x0, s12  }
0x25: {  	s12 =	smov.u32 s10;
	s11 =	sadd.s32 $0x1, s11;
	[sflag:s13] =	ssyncset.done @!p0 $0x0  }
0x26: {  	s10 =	smov.u32 s9;
	s9 =	smov.u32 s14;
	[sflag:s13] =	ssyncadd.s32 @!p0 s15  }
.LBB1_1:
0x27: {  	p0 =	sgt.u32 s11, s6  }
0x28: {  	s14 =	smov.u32 s9;
	p1 =	sgt.s32 @!p0 s9, $0x4048A0  }
0x29: {  	s13 =	sand.u32 @!p0 $0x1FFFFFF, s9;
	s15 =	sshra.s32 @!p0 s9, $0x1F;
	p1 =	por !p1, p0  }
0x2a: {  	s16 =	smulhi.u32 @!p0 $0xFEDCCD, s13;
	s15 =	sand.u32 @!p0 s15, s9;
	s14 =	simm.s32 @p1 $0x4048A0  }
0x2b: {  	s14 =	ssub.s32 @!p0 s14, s15  }
0x2c: {  	s15 =	sshrl.u32 @!p0 s16, $0xE;
	s14 =	sadd.s32 @!p0 $0xFFBFB760, s14  }
0x2d: {  	s16 =	sxor.u32 @!p0 $0xFFFFFFFF, s11;
	s15 =	smul.u32 @!p0 $0x404920, s15;
	s17 =	sshll.u32 @!p0 s14, $0x7  }
0x2e: {  	s16 =	sshll.u32 @!p0 s16, $0xC;
	p1 =	sgt.s32 @!p0 s14, $0x7F;
	s14 =	ssub.s32 @!p0 $0x4000, s17  }
0x2f: {  	s13 =	ssub.s32 @!p0 s13, s15;
	p1 =	por !p1, p0;
	s15 =	sand.u32 @!p0 $0x1000, s16  }
0x30: {  	s16 =	simm.s32 @!p0 $0x20;
	s14 =	sshrl.u32 @!p0 s14, $0x2;
	s13 =	sshll.u32 @!p0 s13, $0x4  }
0x31: {  	s17 =	simm.s32 @!p0 $0x80;
	s14 =	simm.s32 @!p1 $0x0;
	s13 =	sadd.s32 @!p0 s4, s13  }
0x32: {  	[tilespmem:s15], [sflag:$0x1] =	stream.strided.gather @!p0 [hbm4b:s13+s16], s14, s17, s16, $0x38;
	[tilespmem:$0x4040] =	vst v63  }
0x33: {  	p0 =	seq.s32 s11, $0x0  }
0x34: {  	p1 =	sge.u32 @!p0 s11, s7  }
0x35: {  	p0 =	por p0, p1  }
.Ltmp2:
0x36: {  	_ = 	snop;
	(pc) =	sbr.rel @p0 .LBB1_7-.Ltmp2, $1  }
0x37: {  	_ =	sdelay $0x3  }
0x38: {  	s13 =	ssub.s32 $0x0, s10  }
0x39: {  	s14 =	sshra.s32 s10, $0x1F;
	p0 =	sgt.s32 s10, $0x4048A0;
	s15 =	smov.u32 s10  }
0x3a: {  	s13 =	sand.u32 s13, s14;
	s15 =	simm.s32 @!p0 $0x4048A0  }
0x3b: {  	s14 =	sadd.s32 s13, s15  }
0x3c: {  	s17 =	sadd.s32 $0x80, s10;
	s14 =	sadd.s32 $0xFFBFB760, s14  }
0x3d: {  	p1 =	slt.s32 s17, $0x404920;
	s31 =	sshll.u32 s14, $0x7  }
0x3e: {  	s17 =	simm.s32 @!p1 $0x404920;
	s15 =	ssub.s32 $0x4000, s31  }
0x3f: {  	p0 =	sgt.s32 s14, $0x7F;
	s14 =	sshrl.u32 s15, $0x2;
	s15 =	ssub.s32 s17, s10  }
0x40: {  	s14 =	simm.s32 @p0 $0x0;
	p0 =	slt.s32 s15, $0x1  }
.Ltmp3:
0x41: {  	_ = 	snop;
	(pc) =	sbr.rel @p0 .LBB1_6-.Ltmp3, $4  }
0x42: {  	s16 =	sand.u32 $0x1, s11  }
0x43: {  	s18 =	smul.u32 $0x1020, s16;
	_ =	swait.ge [sflag:s5], s14  }
0x44: {  	s14 =	ssub.s32 $0x0, s14;
	[sflag:s5] =	ssyncset.done $0x0  }
0x45: {  	[sflag:s5] =	ssyncadd.s32 s14;
	s14 =	sor.u32 $0x2000, s18  }
0x46: {  	s16 =	sshll.u32 s16, $0xC  }
0x47: {  	v0 =	vmov s16;
	_ =	sdelay $0x1  }
0x48: {  	s17 =	simm.s32 $0x0  }
0x49: {  	s31 =	simm.s32 $0x0;
	s30 =	sand.u32 $0x1C, s17  }
0x4a: {  	p0 =	sne.s32 s15, $0x1;
	s18 =	sand.u32 $0xFE0, s31;
	s16 =	smul.u32 $0x204, s30  }
.Ltmp4:
0x4b: {  	v1 =	vld.idx.msk [tilespmem:v0+s18+$0x0 ss:$0x1], $0xffff;
	(pc) =	sbr.rel @!p0 .LBB1_5-.Ltmp4, $4  }
0x4c: {  	_ = 	snop  }
0x4d: {  	s16 =	sshrl.u32 s16, $0x2  }
0x4e: {  	s17 =	sand.u32 $0x7F, s31;
	s19 =	sadd.s32 s16, s14  }
0x4f: {  	s16 =	simm.s32 $0x1;
	s18 =	sadd.s32 s17, s19;
	s17 =	simm.s32 $0x20  }
.LBB1_4:
0x50: {  	s19 =	sand.u32 $0xFE0, s17  }
0x51: {  	s20 =	sshrl.u32 s16, $0x5;
	[tilespmem:s18+$0x0 ss:$0x81] =	vst.msk $0xffff, v1;
	s18 =	smov.u32 s16;
	s16 =	sadd.s32 $0x1, s16  }
0x52: {  	v1 =	vld.idx.msk [tilespmem:v0+s19+$0x0 ss:$0x1], $0xffff;
	s19 =	sand.u32 $0x1C, s20  }
0x53: {  	p0 =	sne.s32 s15, s16;
	s19 =	smul.u32 $0x204, s19  }
.Ltmp5:
0x54: {  	(pc) =	sbr.rel @p0 .LBB1_4-.Ltmp5, $4  }
0x55: {  	_ = 	snop  }
0x56: {  	s19 =	sshrl.u32 s19, $0x2  }
0x57: {  	s18 =	sand.u32 $0x7F, s18;
	s19 =	sadd.s32 s19, s14  }
0x58: {  	s17 =	sadd.s32 $0x20, s17;
	s18 =	sadd.s32 s18, s19  }
.Ltmp6:
0x59: {  	_ = 	snop;
	(pc) =	sbr.rel .LBB1_5-.Ltmp6, $1  }
0x5a: {  	_ =	sdelay $0x3  }
.LBB1_8:
0x5b: {  	_ =	sfence.sel $0x180000  }
0x5c: {  	s2 =	simm.s32 $0x1;
	[bflag:$0x0] =	sbarrier.arrive $0xFFFF  }
0x5d: {  	s31 =	simm.s32 $0x2;
	[sflag:s2] =	ssyncpa.u1 $0x1  }
0x5e: {  	[sflag:s31] =	ssyncpa.u1 $0x1  }
0x5f: {  	p0 =	sne.s32 s1, $0x0;
	_ =	strace $0x90000050  }
0x60: {  	s0 =	sadd.s32 @!p0 $0x100000, s0;
	[bflag:$0x2] =	sbarrier.arrive $0xFFFF  }
0x61: {  	[sflag:s0] =	ssyncadd.tile.s32 @!p0 $0x1;
	_ =	shalt  }
.Lfunc_end1:
_tile_overlayer_lowered:
.L_overlay_start_2:
0x62: {  	(tag) =	ssettag $0x2  }
0x63: {  	s0 =	rddreg [dreg:$0x0];
	s2 =	stileid.u32  }
0x64: {  	s1 =	rddreg [dreg:$0x1];
	p0 =	sne.s32 s2, $0x0  }
0x65: {  	s3 =	rddreg [dreg:$0x2];
	[bflag:$0x3] =	sbarrier.arrive $0xFFFF;
	s2 =	simm.s32 @!p0 $0x1C01  }
0x66: {  	[timem:s3], [sflag:s2] =	dma.local @!p0 [hbm:s0], s1  }
0x67: {  	s0 =	simm.s32 @!p0 $0x1  }
0x68: {  	_ =	swait.ge @!p0 [sflag:s0], s1  }
0x69: {  	s1 =	ssub.s32 @!p0 $0x0, s1;
	[sflag:s0] =	ssyncset.done @!p0 $0x0  }
0x6a: {  	[sflag:s0] =	ssyncadd.s32 @!p0 s1  }
0x6b: {  	[bflag:$0x3] =	sbarrier.arrive $0xFFFF  }
0x6c: {  	_ =	shalt  }

</sc_bundles>
